<compile_context>
chip_gen: v7x
topology: tpu7x:2x2x1
jax: 0.10.2.dev20260603
libtpu: 0.0.44.dev20260713+nightly
codegen_flags: <defaults>
</compile_context>

<pallas_src>
import functools

import jax
import jax.numpy as jnp
from jax import lax
from jax.experimental import pallas as pl
from jax.experimental.pallas import tpu as pltpu
from jax.experimental.pallas import tpu_sc as plsc

N_SYS = 1000
AP = 50
NPAIR = AP * (AP - 1)
NCHUNK = (NPAIR + 15) // 16
GSYS = 4
NG = N_SYS // GSYS
POSW = AP * 3
GPOS = GSYS * POSW
GASI = GSYS * AP
GR = GSYS * 3 * NPAIR
GD = GSYS * NPAIR

_L = 16


def _sc_pair_kernel(pos_hbm, asi_hbm, r_hbm, d_hbm, pi_hbm,
                    pos_v0, pos_v1, asi_v0, asi_v1, r_v0, r_v1,
                    d_v0, d_v1, pii_v0, pii_v1, pij_v0, pij_v1,
                    li_t, lj_t, li3_t, lj3_t,
                    in_sem0, in_sem1, out_sem0, out_sem1):
    pos_v = (pos_v0, pos_v1)
    asi_v = (asi_v0, asi_v1)
    r_v = (r_v0, r_v1)
    d_v = (d_v0, d_v1)
    pii_v = (pii_v0, pii_v1)
    pij_v = (pij_v0, pij_v1)
    in_sems = (in_sem0, in_sem1)
    out_sems = (out_sem0, out_sem1)
    info = plsc.get_sparse_core_info()
    nc, ns = info.num_cores, info.num_subcores
    nw = nc * ns
    w = lax.axis_index("s") * nc + lax.axis_index("c")
    base, rem = NG // nw, NG % nw
    lo = w * base + jnp.minimum(w, rem)
    cnt = base + jnp.where(w < rem, 1, 0)

    iota = lax.iota(jnp.int32, _L)
    iota3 = iota * 3
    fone5 = jnp.full((_L,), 1.5, jnp.float32)
    magic = jnp.full((_L,), 0x5F3759DF, jnp.int32)

    def table_body(n, _):
        k = jnp.minimum(n * _L, NPAIR - _L) + iota
        li = (k * 1338) >> 16
        rr = k - li * 49
        lj = jnp.where(rr < li, rr, rr + 1)
        tb = n * _L
        li_t[pl.ds(tb, _L)] = li
        lj_t[pl.ds(tb, _L)] = lj
        li3_t[pl.ds(tb, _L)] = li * 3
        lj3_t[pl.ds(tb, _L)] = lj * 3
        return 0

    lax.fori_loop(0, NCHUNK, table_body, 0)

    def compute_group(pos_b, asi_b, r_b, d_b, pii_b, pij_b):
        def sys_body(t, _):
            pbase = t * POSW
            obase_d = t * NPAIR
            start = plsc.load_gather(asi_b, [iota * 0 + t * AP]) * AP

            @plsc.parallel_loop(0, NCHUNK, unroll=2)
            def chunk_body(n):
                ks = jnp.minimum(n * _L, NPAIR - _L)
                tb = n * _L
                li = li_t[pl.ds(tb, _L)]
                lj = lj_t[pl.ds(tb, _L)]
                i3 = li3_t[pl.ds(tb, _L)] + pbase
                j3 = lj3_t[pl.ds(tb, _L)] + pbase
                k3 = (obase_d + ks) * 3 + iota3
                sq = jnp.zeros((_L,), jnp.float32)
                for c in range(3):
                    gci = plsc.load_gather(pos_b, [i3 + c if c else i3])
                    gcj = plsc.load_gather(pos_b, [j3 + c if c else j3])
                    rc = gcj - gci
                    plsc.store_scatter(r_b, [k3 + c if c else k3], rc)
                    sq = sq + rc * rc
                y = plsc.bitcast(magic - (plsc.bitcast(sq, jnp.int32) >> 1),
                                 jnp.float32)
                h = sq * 0.5
                y = y * (fone5 - h * y * y)
                y = y * (fone5 - h * y * y)
                d_b[pl.ds(obase_d + ks, _L)] = sq * y
                pii_b[pl.ds(obase_d + ks, _L)] = start + li
                pij_b[pl.ds(obase_d + ks, _L)] = start + lj

            return 0

        lax.fori_loop(0, GSYS, sys_body, 0)

    for j in (0, 1):
        @pl.when(j < cnt)
        def _(j=j):
            pltpu.async_copy(pos_hbm.at[pl.ds((lo + j) * GPOS, GPOS)],
                             pos_v[j], in_sems[j])
            pltpu.async_copy(asi_hbm.at[pl.ds((lo + j) * GASI, GASI)],
                             asi_v[j], in_sems[j])

    def step(t, _):
        for j in (0, 1):
            gi = 2 * t + j

            @pl.when(gi < cnt)
            def _(j=j, gi=gi):
                g = lo + gi
                pltpu.make_async_copy(
                    pos_hbm.at[pl.ds(0, GPOS)], pos_v[j], in_sems[j]).wait()
                pltpu.make_async_copy(
                    asi_hbm.at[pl.ds(0, GASI)], asi_v[j], in_sems[j]).wait()

                @pl.when(t > 0)
                def _():
                    pltpu.make_async_copy(
                        r_v[j], r_hbm.at[pl.ds(0, GR)],
                        out_sems[j]).wait()
                    pltpu.make_async_copy(
                        d_v[j], d_hbm.at[pl.ds(0, GD)],
                        out_sems[j]).wait()
                    pltpu.make_async_copy(
                        pii_v[j], pi_hbm.at[pl.ds(0, GD)],
                        out_sems[j]).wait()
                    pltpu.make_async_copy(
                        pij_v[j], pi_hbm.at[pl.ds(0, GD)],
                        out_sems[j]).wait()

                compute_group(pos_v[j], asi_v[j], r_v[j],
                              d_v[j], pii_v[j], pij_v[j])

                @pl.when(gi + 2 < cnt)
                def _():
                    pltpu.async_copy(
                        pos_hbm.at[pl.ds((g + 2) * GPOS, GPOS)],
                        pos_v[j], in_sems[j])
                    pltpu.async_copy(
                        asi_hbm.at[pl.ds((g + 2) * GASI, GASI)],
                        asi_v[j], in_sems[j])

                pltpu.async_copy(r_v[j], r_hbm.at[pl.ds(g * GR, GR)],
                                 out_sems[j])
                pltpu.async_copy(d_v[j], d_hbm.at[pl.ds(g * GD, GD)],
                                 out_sems[j])
                pltpu.async_copy(pii_v[j], pi_hbm.at[pl.ds(g * GD, GD)],
                                 out_sems[j])
                pltpu.async_copy(pij_v[j], pi_hbm.at[pl.ds((NG + g) * GD, GD)],
                                 out_sems[j])

        return 0

    lax.fori_loop(0, (cnt + 1) // 2, step, 0)

    for j in (0, 1):
        @pl.when(j < cnt)
        def _(j=j):
            pltpu.make_async_copy(r_v[j], r_hbm.at[pl.ds(0, GR)],
                                  out_sems[j]).wait()
            pltpu.make_async_copy(d_v[j], d_hbm.at[pl.ds(0, GD)],
                                  out_sems[j]).wait()
            pltpu.make_async_copy(pii_v[j], pi_hbm.at[pl.ds(0, GD)],
                                  out_sems[j]).wait()
            pltpu.make_async_copy(pij_v[j], pi_hbm.at[pl.ds(0, GD)],
                                  out_sems[j]).wait()


@functools.partial(
    pl.kernel,
    out_type=(
        jax.ShapeDtypeStruct((N_SYS * 3 * NPAIR,), jnp.float32),
        jax.ShapeDtypeStruct((N_SYS * NPAIR,), jnp.float32),
        jax.ShapeDtypeStruct((2 * N_SYS * NPAIR,), jnp.int32),
    ),
    mesh=plsc.VectorSubcoreMesh(core_axis_name="c", subcore_axis_name="s"),
    compiler_params=pltpu.CompilerParams(needs_layout_passes=False),
    scratch_types=[
        pltpu.VMEM((GSYS * POSW,), jnp.float32),
        pltpu.VMEM((GSYS * POSW,), jnp.float32),
        pltpu.VMEM((GSYS * AP,), jnp.int32),
        pltpu.VMEM((GSYS * AP,), jnp.int32),
        pltpu.VMEM((GSYS * 3 * NPAIR,), jnp.float32),
        pltpu.VMEM((GSYS * 3 * NPAIR,), jnp.float32),
        pltpu.VMEM((GSYS * NPAIR,), jnp.float32),
        pltpu.VMEM((GSYS * NPAIR,), jnp.float32),
        pltpu.VMEM((GSYS * NPAIR,), jnp.int32),
        pltpu.VMEM((GSYS * NPAIR,), jnp.int32),
        pltpu.VMEM((GSYS * NPAIR,), jnp.int32),
        pltpu.VMEM((GSYS * NPAIR,), jnp.int32),
        pltpu.VMEM((NCHUNK * _L,), jnp.int32),
        pltpu.VMEM((NCHUNK * _L,), jnp.int32),
        pltpu.VMEM((NCHUNK * _L,), jnp.int32),
        pltpu.VMEM((NCHUNK * _L,), jnp.int32),
        pltpu.SemaphoreType.DMA,
        pltpu.SemaphoreType.DMA,
        pltpu.SemaphoreType.DMA,
        pltpu.SemaphoreType.DMA,
    ],
)
def _pair_list_sc(pos_hbm, asi_hbm, r_hbm, d_hbm, pi_hbm, *scratch):
    _sc_pair_kernel(pos_hbm, asi_hbm, r_hbm, d_hbm, pi_hbm, *scratch)


def kernel(positions, atomic_subsystem_indices):
    pos1 = positions.reshape(N_SYS * POSW)
    asi1 = atomic_subsystem_indices.reshape(N_SYS * AP)
    r1, d1, pi1 = _pair_list_sc(pos1, asi1)
    pair_indices = pi1.reshape(2, N_SYS * NPAIR)
    d_ij = d1.reshape(N_SYS * NPAIR, 1)
    r_ij = r1.reshape(N_SYS * NPAIR, 3)
    return (pair_indices, d_ij, r_ij)

# --- scband reference (transcript-rebuilt; emitter-appended) ---
"""Pipeline reference for scband-pair-list-81363860456170 (READ-ONLY COPY).

The authoritative reference and input builder live on the scoring server;
editing this copy changes nothing except your own understanding.
"""

import jax, jax.numpy as jnp
import numpy as np

N_SYSTEMS = 1000
ATOMS_PER = 50
N_ATOMS = N_SYSTEMS * ATOMS_PER


def _pair_list(atomic_subsystem_indices, only_unique_pairs=False):
    # General pair-list: for each subsystem (molecule), enumerate all ordered pairs
    # (i, j) with i != j (or i < j when only_unique_pairs=True) within the subsystem.
    n_atoms = atomic_subsystem_indices.shape[0]
    n_systems = n_atoms // ATOMS_PER
    li, lj = np.meshgrid(np.arange(ATOMS_PER), np.arange(ATOMS_PER), indexing='ij')
    keep = (li < lj) if only_unique_pairs else (li != lj)
    local = jnp.asarray(np.stack([li[keep], lj[keep]], axis=0), dtype=jnp.int32)  # [2, p]
    starts = atomic_subsystem_indices[::ATOMS_PER].astype(jnp.int32) * ATOMS_PER  # [n_systems]
    pairs = starts[None, :, None] + local[:, None, :]  # [2, n_systems, p]
    return pairs.reshape(2, -1).astype(jnp.int32)


def setup_inputs(seed: int = 0) -> dict:
    key = jax.random.key(seed)
    k1, _ = jax.random.split(key)
    positions = jax.random.normal(k1, (N_ATOMS, 3), dtype=jnp.float32) * 5.0
    # 1000 contiguous molecules of exactly 50 atoms each (sorted subsystem ids)
    atomic_subsystem_indices = jnp.repeat(jnp.arange(N_SYSTEMS, dtype=jnp.int32), ATOMS_PER)
    return {"positions": positions, "atomic_subsystem_indices": atomic_subsystem_indices}


def reference(positions, atomic_subsystem_indices):
    pair_indices = _pair_list(atomic_subsystem_indices, only_unique_pairs=False)  # [2, P]
    # _calculate_r_ij: gather both endpoints, displacement vector
    selected = jnp.take(positions, pair_indices.reshape(-1), axis=0).reshape(2, -1, 3)
    r_ij = selected[1] - selected[0]                                   # [P, 3]
    # _calculate_d_ij: L2 norm, keepdim
    d_ij = jnp.sqrt(jnp.sum(r_ij * r_ij, axis=-1, keepdims=True))      # [P, 1]
    return (pair_indices, d_ij, r_ij)

if __name__ == "__main__":
    import jax
    _d = setup_inputs()
    print(jax.jit(kernel)(*tuple(_d.values())))

</pallas_src>

<mosaic_0001>
#map = affine_map<(d0, d1) -> (0)>
module attributes {stable_mosaic.version = 14 : i64} {
  func.func @_pair_list_sc(%arg0: i32, %arg1: i32, %arg2: memref<150000xf32, #tpu.memory_space<hbm>>, %arg3: memref<50000xi32, #tpu.memory_space<hbm>>, %arg4: memref<7350000xf32, #tpu.memory_space<hbm>>, %arg5: memref<2450000xf32, #tpu.memory_space<hbm>>, %arg6: memref<4900000xi32, #tpu.memory_space<hbm>>, %arg7: memref<600xf32, #tpu.memory_space<vmem>>, %arg8: memref<600xf32, #tpu.memory_space<vmem>>, %arg9: memref<200xi32, #tpu.memory_space<vmem>>, %arg10: memref<200xi32, #tpu.memory_space<vmem>>, %arg11: memref<29400xf32, #tpu.memory_space<vmem>>, %arg12: memref<29400xf32, #tpu.memory_space<vmem>>, %arg13: memref<9800xf32, #tpu.memory_space<vmem>>, %arg14: memref<9800xf32, #tpu.memory_space<vmem>>, %arg15: memref<9800xi32, #tpu.memory_space<vmem>>, %arg16: memref<9800xi32, #tpu.memory_space<vmem>>, %arg17: memref<9800xi32, #tpu.memory_space<vmem>>, %arg18: memref<9800xi32, #tpu.memory_space<vmem>>, %arg19: memref<2464xi32, #tpu.memory_space<vmem>>, %arg20: memref<2464xi32, #tpu.memory_space<vmem>>, %arg21: memref<2464xi32, #tpu.memory_space<vmem>>, %arg22: memref<2464xi32, #tpu.memory_space<vmem>>, %arg23: memref<!tpu.dma_semaphore, #tpu.memory_space<semaphore_mem>>, %arg24: memref<!tpu.dma_semaphore, #tpu.memory_space<semaphore_mem>>, %arg25: memref<!tpu.dma_semaphore, #tpu.memory_space<semaphore_mem>>, %arg26: memref<!tpu.dma_semaphore, #tpu.memory_space<semaphore_mem>>) attributes {dimension_semantics = [#tpu.dimension_semantics<core_parallel>, #tpu.dimension_semantics<subcore_parallel>], iteration_bounds = array<i64: 2, 16>, scalar_prefetch = 0 : i64, scratch_operands = 20 : i64, tpu.core_type = #tpu.core_type<sc_vector_subcore>, window_params = [{transform_indices = #map}, {transform_indices = #map}, {transform_indices = #map}, {transform_indices = #map}, {transform_indices = #map}]} {
    %mul3A = arith.constant 2 : i32
    %mul3A_0 = arith.muli %arg1, %mul3A : i32
    %add3A = arith.addi %mul3A_0, %arg0 : i32
    %mul3A_1 = arith.constant 7 : i32
    %mul3A_2 = arith.muli %add3A, %mul3A_1 : i32
    %min3A = arith.constant 26 : i32
    %min3A_3 = arith.minsi %add3A, %min3A : i32
    %add3A_4 = arith.addi %mul3A_2, %min3A_3 : i32
    %lt3A = arith.constant 26 : i32
    %lt3A_5 = arith.cmpi slt, %add3A, %lt3A : i32
    %jit3A = arith.constant 1 : i32
    %jit3A_6 = arith.constant 0 : i32
    %select_n3A = arith.select %lt3A_5, %jit3A, %jit3A_6 : i32
    %add3A_7 = arith.constant 7 : i32
    %add3A_8 = arith.addi %add3A_7, %select_n3A : i32
    %iota3A = tpu.iota {dimensions = array<i32: 0>} : vector<16xi32>
    %mul3A_9 = arith.constant 3 : i32
    %mul3A_10 = vector.broadcast %mul3A_9 : i32 to vector<16xi32>
    %mul3A_11 = arith.muli %iota3A, %mul3A_10 : vector<16xi32>
    %broadcast_in_dim3A = arith.constant 1.500000e+00 : f32
    %broadcast_in_dim3A_12 = vector.broadcast %broadcast_in_dim3A : f32 to vector<16xf32>
    %broadcast_in_dim3A_13 = arith.constant 1597463007 : i32
    %broadcast_in_dim3A_14 = vector.broadcast %broadcast_in_dim3A_13 : i32 to vector<16xi32>
    %scan3A = arith.constant 0 : i32
    %scan3A_15 = arith.constant 0 : i32
    %scan3A_16 = arith.constant 154 : i32
    %scan3A_17 = arith.addi %scan3A_15, %scan3A_16 : i32
    %scan3A_18 = arith.constant 1 : i32
    %scan3A_19 = scf.for %scan3A_69 = %scan3A_15 to %scan3A_17 step %scan3A_18 iter_args(%scan3A_70 = %scan3A) -> (i32)  : i32 {
      %mul3A_71 = arith.constant 16 : i32
      %mul3A_72 = arith.muli %scan3A_69, %mul3A_71 : i32
      %min3A_73 = arith.constant 2434 : i32
      %min3A_74 = arith.minsi %mul3A_72, %min3A_73 : i32
      %add3A_75 = vector.broadcast %min3A_74 : i32 to vector<16xi32>
      %add3A_76 = arith.addi %add3A_75, %iota3A : vector<16xi32>
      %mul3A_77 = arith.constant 1338 : i32
      %mul3A_78 = vector.broadcast %mul3A_77 : i32 to vector<16xi32>
      %mul3A_79 = arith.muli %add3A_76, %mul3A_78 : vector<16xi32>
      %shift_right_arithmetic3A = arith.constant 16 : i32
      %shift_right_arithmetic3A_80 = vector.broadcast %shift_right_arithmetic3A : i32 to vector<16xi32>
      %shift_right_arithmetic3A_81 = arith.shrsi %mul3A_79, %shift_right_arithmetic3A_80 : vector<16xi32>
      %mul3A_82 = arith.constant 49 : i32
      %mul3A_83 = vector.broadcast %mul3A_82 : i32 to vector<16xi32>
      %mul3A_84 = arith.muli %shift_right_arithmetic3A_81, %mul3A_83 : vector<16xi32>
      %sub3A_85 = arith.subi %add3A_76, %mul3A_84 : vector<16xi32>
      %lt3A_86 = arith.cmpi slt, %sub3A_85, %shift_right_arithmetic3A_81 : vector<16xi32>
      %add3A_87 = arith.constant 1 : i32
      %add3A_88 = vector.broadcast %add3A_87 : i32 to vector<16xi32>
      %add3A_89 = arith.addi %sub3A_85, %add3A_88 : vector<16xi32>
      %select_n3A_90 = arith.select %lt3A_86, %sub3A_85, %add3A_89 : vector<16xi1>, vector<16xi32>
      %mul3A_91 = arith.constant 16 : i32
      %mul3A_92 = arith.muli %scan3A_69, %mul3A_91 : i32
      %swap3A = arith.index_cast %mul3A_92 : i32 to index
      %swap3A_93 = tpu.vector_load %arg19[%swap3A] {strides = array<i32>} : memref<2464xi32, #tpu.memory_space<vmem>>, vector<16xi32>,
      tpu.vector_store %arg19[%swap3A], %shift_right_arithmetic3A_81 {strides = array<i32>} : memref<2464xi32, #tpu.memory_space<vmem>>, vector<16xi32>,
      %swap3A_94 = arith.index_cast %mul3A_92 : i32 to index
      %swap3A_95 = tpu.vector_load %arg20[%swap3A_94] {strides = array<i32>} : memref<2464xi32, #tpu.memory_space<vmem>>, vector<16xi32>,
      tpu.vector_store %arg20[%swap3A_94], %select_n3A_90 {strides = array<i32>} : memref<2464xi32, #tpu.memory_space<vmem>>, vector<16xi32>,
      %mul3A_96 = arith.constant 3 : i32
      %mul3A_97 = vector.broadcast %mul3A_96 : i32 to vector<16xi32>
      %mul3A_98 = arith.muli %shift_right_arithmetic3A_81, %mul3A_97 : vector<16xi32>
      %swap3A_99 = arith.index_cast %mul3A_92 : i32 to index
      %swap3A_100 = tpu.vector_load %arg21[%swap3A_99] {strides = array<i32>} : memref<2464xi32, #tpu.memory_space<vmem>>, vector<16xi32>,
      tpu.vector_store %arg21[%swap3A_99], %mul3A_98 {strides = array<i32>} : memref<2464xi32, #tpu.memory_space<vmem>>, vector<16xi32>,
      %mul3A_101 = arith.constant 3 : i32
      %mul3A_102 = vector.broadcast %mul3A_101 : i32 to vector<16xi32>
      %mul3A_103 = arith.muli %select_n3A_90, %mul3A_102 : vector<16xi32>
      %swap3A_104 = arith.index_cast %mul3A_92 : i32 to index
      %swap3A_105 = tpu.vector_load %arg22[%swap3A_104] {strides = array<i32>} : memref<2464xi32, #tpu.memory_space<vmem>>, vector<16xi32>,
      tpu.vector_store %arg22[%swap3A_104], %mul3A_103 {strides = array<i32>} : memref<2464xi32, #tpu.memory_space<vmem>>, vector<16xi32>,
      %scan3A_106 = arith.constant 0 : i32
      scf.yield %scan3A_106 : i32
    }
    %scan3A_20 = arith.constant 154 : i32
    %gt3A = arith.constant 0 : i32
    %gt3A_21 = arith.cmpi sgt, %add3A_8, %gt3A : i32
    %convert_element_type3A = arith.extui %gt3A_21 : i1 to i32
    %cond3A = arith.constant 0 : i32
    %cond3A_22 = arith.cmpi ne, %convert_element_type3A, %cond3A : i32
    scf.if %cond3A_22 {
      %add3A_69 = arith.constant 0 : i32
      %add3A_70 = arith.addi %add3A_4, %add3A_69 : i32
      %mul3A_71 = arith.constant 600 : i32
      %mul3A_72 = arith.muli %add3A_70, %mul3A_71 : i32
      %dma_start3A = tpu.memref_slice %arg2[%mul3A_72] : memref<150000xf32, #tpu.memory_space<hbm>> -> memref<600xf32, #tpu.memory_space<hbm>>
      %dma_start3A_73 = tpu.memref_slice %arg2[%mul3A_72] : memref<150000xf32, #tpu.memory_space<hbm>> -> memref<600xf32, #tpu.memory_space<hbm>>
      tpu.enqueue_dma source(%dma_start3A_73 : memref<600xf32, #tpu.memory_space<hbm>>) target(%arg7 : memref<600xf32, #tpu.memory_space<vmem>>) target_semaphore(%arg23 : memref<!tpu.dma_semaphore, #tpu.memory_space<semaphore_mem>>)
      %add3A_74 = arith.constant 0 : i32
      %add3A_75 = arith.addi %add3A_4, %add3A_74 : i32
      %mul3A_76 = arith.constant 200 : i32
      %mul3A_77 = arith.muli %add3A_75, %mul3A_76 : i32
      %dma_start3A_78 = tpu.memref_slice %arg3[%mul3A_77] : memref<50000xi32, #tpu.memory_space<hbm>> -> memref<200xi32, #tpu.memory_space<hbm>>
      %dma_start3A_79 = tpu.memref_slice %arg3[%mul3A_77] : memref<50000xi32, #tpu.memory_space<hbm>> -> memref<200xi32, #tpu.memory_space<hbm>>
      tpu.enqueue_dma source(%dma_start3A_79 : memref<200xi32, #tpu.memory_space<hbm>>) target(%arg9 : memref<200xi32, #tpu.memory_space<vmem>>) target_semaphore(%arg23 : memref<!tpu.dma_semaphore, #tpu.memory_space<semaphore_mem>>)
    } else {
    }
    %gt3A_23 = arith.constant 1 : i32
    %gt3A_24 = arith.cmpi sgt, %add3A_8, %gt3A_23 : i32
    %convert_element_type3A_25 = arith.extui %gt3A_24 : i1 to i32
    %cond3A_26 = arith.constant 0 : i32
    %cond3A_27 = arith.cmpi ne, %convert_element_type3A_25, %cond3A_26 : i32
    scf.if %cond3A_27 {
      %add3A_69 = arith.constant 1 : i32
      %add3A_70 = arith.addi %add3A_4, %add3A_69 : i32
      %mul3A_71 = arith.constant 600 : i32
      %mul3A_72 = arith.muli %add3A_70, %mul3A_71 : i32
      %dma_start3A = tpu.memref_slice %arg2[%mul3A_72] : memref<150000xf32, #tpu.memory_space<hbm>> -> memref<600xf32, #tpu.memory_space<hbm>>
      %dma_start3A_73 = tpu.memref_slice %arg2[%mul3A_72] : memref<150000xf32, #tpu.memory_space<hbm>> -> memref<600xf32, #tpu.memory_space<hbm>>
      tpu.enqueue_dma source(%dma_start3A_73 : memref<600xf32, #tpu.memory_space<hbm>>) target(%arg8 : memref<600xf32, #tpu.memory_space<vmem>>) target_semaphore(%arg24 : memref<!tpu.dma_semaphore, #tpu.memory_space<semaphore_mem>>)
      %add3A_74 = arith.constant 1 : i32
      %add3A_75 = arith.addi %add3A_4, %add3A_74 : i32
      %mul3A_76 = arith.constant 200 : i32
      %mul3A_77 = arith.muli %add3A_75, %mul3A_76 : i32
      %dma_start3A_78 = tpu.memref_slice %arg3[%mul3A_77] : memref<50000xi32, #tpu.memory_space<hbm>> -> memref<200xi32, #tpu.memory_space<hbm>>
      %dma_start3A_79 = tpu.memref_slice %arg3[%mul3A_77] : memref<50000xi32, #tpu.memory_space<hbm>> -> memref<200xi32, #tpu.memory_space<hbm>>
      tpu.enqueue_dma source(%dma_start3A_79 : memref<200xi32, #tpu.memory_space<hbm>>) target(%arg10 : memref<200xi32, #tpu.memory_space<vmem>>) target_semaphore(%arg24 : memref<!tpu.dma_semaphore, #tpu.memory_space<semaphore_mem>>)
    } else {
    }
    %add3A_28 = arith.constant 1 : i32
    %add3A_29 = arith.addi %add3A_8, %add3A_28 : i32
    %jit3A_30 = arith.constant 2 : i32
    %div3A = arith.divsi %add3A_29, %jit3A_30 : i32
    %sign3A = arith.constant 0 : i32
    %sign3A_31 = arith.cmpi sgt, %add3A_29, %sign3A : i32
    %sign3A_32 = arith.extui %sign3A_31 : i1 to i32
    %sign3A_33 = arith.constant 0 : i32
    %sign3A_34 = arith.cmpi slt, %add3A_29, %sign3A_33 : i32
    %sign3A_35 = arith.extui %sign3A_34 : i1 to i32
    %sign3A_36 = arith.subi %sign3A_32, %sign3A_35 : i32
    %sign3A_37 = arith.constant 0 : i32
    %sign3A_38 = arith.cmpi sgt, %jit3A_30, %sign3A_37 : i32
    %sign3A_39 = arith.extui %sign3A_38 : i1 to i32
    %sign3A_40 = arith.constant 0 : i32
    %sign3A_41 = arith.cmpi slt, %jit3A_30, %sign3A_40 : i32
    %sign3A_42 = arith.extui %sign3A_41 : i1 to i32
    %sign3A_43 = arith.subi %sign3A_39, %sign3A_42 : i32
    %ne3A = arith.cmpi ne, %sign3A_36, %sign3A_43 : i32
    %rem3A = arith.remsi %add3A_29, %jit3A_30 : i32
    %ne3A_44 = arith.constant 0 : i32
    %ne3A_45 = arith.cmpi ne, %rem3A, %ne3A_44 : i32
    %and3A = arith.andi %ne3A, %ne3A_45 : i1
    %sub3A = arith.constant 1 : i32
    %sub3A_46 = arith.subi %div3A, %sub3A : i32
    %select_n3A_47 = arith.select %and3A, %sub3A_46, %div3A : i32
    %while3A = arith.constant 0 : i32
    %while3A_48 = arith.constant 0 : i32
    %while3A_49 = arith.subi %select_n3A_47, %while3A : i32
    %while3A_50 = arith.addi %while3A, %while3A_49 : i32
    %while3A_51 = arith.constant 1 : i32
    %while3A_52 = arith.divsi %while3A_49, %while3A_51 : i32
    %while3A_53 = arith.muli %while3A_52, %while3A_51 : i32
    %while3A_54 = arith.addi %while3A, %while3A_53 : i32
    %while3A_55 = arith.constant 1 : i32
    %while3A_56 = scf.for %while3A_69 = %while3A to %while3A_54 step %while3A_55 iter_args(%while3A_70 = %while3A_48) -> (i32)  : i32 {
      %mul3A_71 = arith.constant 2 : i32
      %mul3A_72 = arith.muli %mul3A_71, %while3A_69 : i32
      %add3A_73 = arith.constant 0 : i32
      %add3A_74 = arith.addi %mul3A_72, %add3A_73 : i32
      %lt3A_75 = arith.cmpi slt, %add3A_74, %add3A_8 : i32
      %convert_element_type3A_76 = arith.extui %lt3A_75 : i1 to i32
      %cond3A_77 = arith.constant 0 : i32
      %cond3A_78 = arith.cmpi ne, %convert_element_type3A_76, %cond3A_77 : i32
      scf.if %cond3A_78 {
        %add3A_88 = arith.addi %add3A_4, %add3A_74 : i32
        %dma_wait3A = arith.constant 0 : i32
        %dma_wait3A_89 = tpu.memref_slice %arg2[%dma_wait3A] : memref<150000xf32, #tpu.memory_space<hbm>> -> memref<600xf32, #tpu.memory_space<hbm>>
        %dma_wait3A_90 = arith.constant 0 : i32
        %dma_wait3A_91 = tpu.memref_slice %arg2[%dma_wait3A_90] : memref<150000xf32, #tpu.memory_space<hbm>> -> memref<600xf32, #tpu.memory_space<hbm>>
        tpu.wait_dma2 semaphore(%arg23 : memref<!tpu.dma_semaphore, #tpu.memory_space<semaphore_mem>>) src(%dma_wait3A_91 : memref<600xf32, #tpu.memory_space<hbm>>) dst(%arg7 : memref<600xf32, #tpu.memory_space<vmem>>)
        %dma_wait3A_92 = arith.constant 0 : i32
        %dma_wait3A_93 = tpu.memref_slice %arg3[%dma_wait3A_92] : memref<50000xi32, #tpu.memory_space<hbm>> -> memref<200xi32, #tpu.memory_space<hbm>>
        %dma_wait3A_94 = arith.constant 0 : i32
        %dma_wait3A_95 = tpu.memref_slice %arg3[%dma_wait3A_94] : memref<50000xi32, #tpu.memory_space<hbm>> -> memref<200xi32, #tpu.memory_space<hbm>>
        tpu.wait_dma2 semaphore(%arg23 : memref<!tpu.dma_semaphore, #tpu.memory_space<semaphore_mem>>) src(%dma_wait3A_95 : memref<200xi32, #tpu.memory_space<hbm>>) dst(%arg9 : memref<200xi32, #tpu.memory_space<vmem>>)
        %gt3A_96 = arith.constant 0 : i32
        %gt3A_97 = arith.cmpi sgt, %while3A_69, %gt3A_96 : i32
        %convert_element_type3A_98 = arith.extui %gt3A_97 : i1 to i32
        %cond3A_99 = arith.constant 0 : i32
        %cond3A_100 = arith.cmpi ne, %convert_element_type3A_98, %cond3A_99 : i32
        scf.if %cond3A_100 {
          %dma_wait3A_131 = arith.constant 0 : i32
          %dma_wait3A_132 = tpu.memref_slice %arg4[%dma_wait3A_131] : memref<7350000xf32, #tpu.memory_space<hbm>> -> memref<29400xf32, #tpu.memory_space<hbm>>
          %dma_wait3A_133 = arith.constant 0 : i32
          %dma_wait3A_134 = tpu.memref_slice %arg4[%dma_wait3A_133] : memref<7350000xf32, #tpu.memory_space<hbm>> -> memref<29400xf32, #tpu.memory_space<hbm>>
          tpu.wait_dma2 semaphore(%arg25 : memref<!tpu.dma_semaphore, #tpu.memory_space<semaphore_mem>>) src(%arg11 : memref<29400xf32, #tpu.memory_space<vmem>>) dst(%dma_wait3A_134 : memref<29400xf32, #tpu.memory_space<hbm>>)
          %dma_wait3A_135 = arith.constant 0 : i32
          %dma_wait3A_136 = tpu.memref_slice %arg5[%dma_wait3A_135] : memref<2450000xf32, #tpu.memory_space<hbm>> -> memref<9800xf32, #tpu.memory_space<hbm>>
          %dma_wait3A_137 = arith.constant 0 : i32
          %dma_wait3A_138 = tpu.memref_slice %arg5[%dma_wait3A_137] : memref<2450000xf32, #tpu.memory_space<hbm>> -> memref<9800xf32, #tpu.memory_space<hbm>>
          tpu.wait_dma2 semaphore(%arg25 : memref<!tpu.dma_semaphore, #tpu.memory_space<semaphore_mem>>) src(%arg13 : memref<9800xf32, #tpu.memory_space<vmem>>) dst(%dma_wait3A_138 : memref<9800xf32, #tpu.memory_space<hbm>>)
          %dma_wait3A_139 = arith.constant 0 : i32
          %dma_wait3A_140 = tpu.memref_slice %arg6[%dma_wait3A_139] : memref<4900000xi32, #tpu.memory_space<hbm>> -> memref<9800xi32, #tpu.memory_space<hbm>>
          %dma_wait3A_141 = arith.constant 0 : i32
          %dma_wait3A_142 = tpu.memref_slice %arg6[%dma_wait3A_141] : memref<4900000xi32, #tpu.memory_space<hbm>> -> memref<9800xi32, #tpu.memory_space<hbm>>
          tpu.wait_dma2 semaphore(%arg25 : memref<!tpu.dma_semaphore, #tpu.memory_space<semaphore_mem>>) src(%arg15 : memref<9800xi32, #tpu.memory_space<vmem>>) dst(%dma_wait3A_142 : memref<9800xi32, #tpu.memory_space<hbm>>)
          %dma_wait3A_143 = arith.constant 0 : i32
          %dma_wait3A_144 = tpu.memref_slice %arg6[%dma_wait3A_143] : memref<4900000xi32, #tpu.memory_space<hbm>> -> memref<9800xi32, #tpu.memory_space<hbm>>
          %dma_wait3A_145 = arith.constant 0 : i32
          %dma_wait3A_146 = tpu.memref_slice %arg6[%dma_wait3A_145] : memref<4900000xi32, #tpu.memory_space<hbm>> -> memref<9800xi32, #tpu.memory_space<hbm>>
          tpu.wait_dma2 semaphore(%arg25 : memref<!tpu.dma_semaphore, #tpu.memory_space<semaphore_mem>>) src(%arg17 : memref<9800xi32, #tpu.memory_space<vmem>>) dst(%dma_wait3A_146 : memref<9800xi32, #tpu.memory_space<hbm>>)
        } else {
        }
        %scan3A_101 = arith.constant 0 : i32
        %scan3A_102 = arith.constant 0 : i32
        %scan3A_103 = arith.constant 4 : i32
        %scan3A_104 = arith.addi %scan3A_102, %scan3A_103 : i32
        %scan3A_105 = arith.constant 1 : i32
        %scan3A_106 = scf.for %scan3A_131 = %scan3A_102 to %scan3A_104 step %scan3A_105 iter_args(%scan3A_132 = %scan3A_101) -> (i32)  : i32 {
          %mul3A_133 = arith.constant 150 : i32
          %mul3A_134 = arith.muli %scan3A_131, %mul3A_133 : i32
          %mul3A_135 = arith.constant 2450 : i32
          %mul3A_136 = arith.muli %scan3A_131, %mul3A_135 : i32
          %mul3A_137 = arith.constant 0 : i32
          %mul3A_138 = vector.broadcast %mul3A_137 : i32 to vector<16xi32>
          %mul3A_139 = arith.muli %iota3A, %mul3A_138 : vector<16xi32>
          %mul3A_140 = arith.constant 50 : i32
          %mul3A_141 = arith.muli %scan3A_131, %mul3A_140 : i32
          %add3A_142 = vector.broadcast %mul3A_141 : i32 to vector<16xi32>
          %add3A_143 = arith.addi %mul3A_139, %add3A_142 : vector<16xi32>
          %gather3A = tpu.vector_load_idx %arg9[%add3A_143] : memref<200xi32, #tpu.memory_space<vmem>>[vector<16xi32>], vector<16xi32>,
          %mul3A_144 = arith.constant 50 : i32
          %mul3A_145 = vector.broadcast %mul3A_144 : i32 to vector<16xi32>
          %mul3A_146 = arith.muli %gather3A, %mul3A_145 : vector<16xi32>
          %parallel_loop3A = arith.constant 0 : i32
          %parallel_loop3A_147 = arith.constant 154 : i32
          %parallel_loop3A_148 = arith.constant 1 : i32
          scf.for %parallel_loop3A_150 = %parallel_loop3A to %parallel_loop3A_147 step %parallel_loop3A_148  : i32 {
            %parallel_loop3A_151 = arith.constant 16 : i32
            %parallel_loop3A_152 = arith.muli %parallel_loop3A_150, %parallel_loop3A_151 : i32
            %parallel_loop3A_153 = arith.constant 2434 : i32
            %parallel_loop3A_154 = arith.minsi %parallel_loop3A_152, %parallel_loop3A_153 : i32
            %parallel_loop3A_155 = arith.constant 16 : i32
            %parallel_loop3A_156 = arith.muli %parallel_loop3A_150, %parallel_loop3A_155 : i32
            %parallel_loop3A_157 = arith.index_cast %parallel_loop3A_156 : i32 to index
            %parallel_loop3A_158 = tpu.vector_load %arg19[%parallel_loop3A_157] {strides = array<i32>} : memref<2464xi32, #tpu.memory_space<vmem>>, vector<16xi32>,
            %parallel_loop3A_159 = arith.index_cast %parallel_loop3A_156 : i32 to index
            %parallel_loop3A_160 = tpu.vector_load %arg20[%parallel_loop3A_159] {strides = array<i32>} : memref<2464xi32, #tpu.memory_space<vmem>>, vector<16xi32>,
            %parallel_loop3A_161 = arith.index_cast %parallel_loop3A_156 : i32 to index
            %parallel_loop3A_162 = tpu.vector_load %arg21[%parallel_loop3A_161] {strides = array<i32>} : memref<2464xi32, #tpu.memory_space<vmem>>, vector<16xi32>,
            %parallel_loop3A_163 = vector.broadcast %mul3A_134 : i32 to vector<16xi32>
            %parallel_loop3A_164 = arith.addi %parallel_loop3A_162, %parallel_loop3A_163 : vector<16xi32>
            %parallel_loop3A_165 = arith.index_cast %parallel_loop3A_156 : i32 to index
            %parallel_loop3A_166 = tpu.vector_load %arg22[%parallel_loop3A_165] {strides = array<i32>} : memref<2464xi32, #tpu.memory_space<vmem>>, vector<16xi32>,
            %parallel_loop3A_167 = vector.broadcast %mul3A_134 : i32 to vector<16xi32>
            %parallel_loop3A_168 = arith.addi %parallel_loop3A_166, %parallel_loop3A_167 : vector<16xi32>
            %parallel_loop3A_169 = arith.addi %mul3A_136, %parallel_loop3A_154 : i32
            %parallel_loop3A_170 = arith.constant 3 : i32
            %parallel_loop3A_171 = arith.muli %parallel_loop3A_169, %parallel_loop3A_170 : i32
            %parallel_loop3A_172 = vector.broadcast %parallel_loop3A_171 : i32 to vector<16xi32>
            %parallel_loop3A_173 = arith.addi %parallel_loop3A_172, %mul3A_11 : vector<16xi32>
            %parallel_loop3A_174 = arith.constant 0.000000e+00 : f32
            %parallel_loop3A_175 = vector.broadcast %parallel_loop3A_174 : f32 to vector<16xf32>
            %parallel_loop3A_176 = tpu.vector_load_idx %arg7[%parallel_loop3A_164] : memref<600xf32, #tpu.memory_space<vmem>>[vector<16xi32>], vector<16xf32>,
            %parallel_loop3A_177 = tpu.vector_load_idx %arg7[%parallel_loop3A_168] : memref<600xf32, #tpu.memory_space<vmem>>[vector<16xi32>], vector<16xf32>,
            %parallel_loop3A_178 = arith.subf %parallel_loop3A_177, %parallel_loop3A_176 : vector<16xf32>
            tpu.vector_store_idx %arg11[%parallel_loop3A_173], %parallel_loop3A_178 : memref<29400xf32, #tpu.memory_space<vmem>>[vector<16xi32>], vector<16xf32>,
            %parallel_loop3A_179 = arith.mulf %parallel_loop3A_178, %parallel_loop3A_178 : vector<16xf32>
            %parallel_loop3A_180 = arith.addf %parallel_loop3A_175, %parallel_loop3A_179 : vector<16xf32>
            %parallel_loop3A_181 = arith.constant 1 : i32
            %parallel_loop3A_182 = vector.broadcast %parallel_loop3A_181 : i32 to vector<16xi32>
            %parallel_loop3A_183 = arith.addi %parallel_loop3A_164, %parallel_loop3A_182 : vector<16xi32>
            %parallel_loop3A_184 = tpu.vector_load_idx %arg7[%parallel_loop3A_183] : memref<600xf32, #tpu.memory_space<vmem>>[vector<16xi32>], vector<16xf32>,
            %parallel_loop3A_185 = arith.constant 1 : i32
            %parallel_loop3A_186 = vector.broadcast %parallel_loop3A_185 : i32 to vector<16xi32>
            %parallel_loop3A_187 = arith.addi %parallel_loop3A_168, %parallel_loop3A_186 : vector<16xi32>
            %parallel_loop3A_188 = tpu.vector_load_idx %arg7[%parallel_loop3A_187] : memref<600xf32, #tpu.memory_space<vmem>>[vector<16xi32>], vector<16xf32>,
            %parallel_loop3A_189 = arith.subf %parallel_loop3A_188, %parallel_loop3A_184 : vector<16xf32>
            %parallel_loop3A_190 = arith.constant 1 : i32
            %parallel_loop3A_191 = vector.broadcast %parallel_loop3A_190 : i32 to vector<16xi32>
            %parallel_loop3A_192 = arith.addi %parallel_loop3A_173, %parallel_loop3A_191 : vector<16xi32>
            tpu.vector_store_idx %arg11[%parallel_loop3A_192], %parallel_loop3A_189 : memref<29400xf32, #tpu.memory_space<vmem>>[vector<16xi32>], vector<16xf32>,
            %parallel_loop3A_193 = arith.mulf %parallel_loop3A_189, %parallel_loop3A_189 : vector<16xf32>
            %parallel_loop3A_194 = arith.addf %parallel_loop3A_180, %parallel_loop3A_193 : vector<16xf32>
            %parallel_loop3A_195 = arith.constant 2 : i32
            %parallel_loop3A_196 = vector.broadcast %parallel_loop3A_195 : i32 to vector<16xi32>
            %parallel_loop3A_197 = arith.addi %parallel_loop3A_164, %parallel_loop3A_196 : vector<16xi32>
            %parallel_loop3A_198 = tpu.vector_load_idx %arg7[%parallel_loop3A_197] : memref<600xf32, #tpu.memory_space<vmem>>[vector<16xi32>], vector<16xf32>,
            %parallel_loop3A_199 = arith.constant 2 : i32
            %parallel_loop3A_200 = vector.broadcast %parallel_loop3A_199 : i32 to vector<16xi32>
            %parallel_loop3A_201 = arith.addi %parallel_loop3A_168, %parallel_loop3A_200 : vector<16xi32>
            %parallel_loop3A_202 = tpu.vector_load_idx %arg7[%parallel_loop3A_201] : memref<600xf32, #tpu.memory_space<vmem>>[vector<16xi32>], vector<16xf32>,
            %parallel_loop3A_203 = arith.subf %parallel_loop3A_202, %parallel_loop3A_198 : vector<16xf32>
            %parallel_loop3A_204 = arith.constant 2 : i32
            %parallel_loop3A_205 = vector.broadcast %parallel_loop3A_204 : i32 to vector<16xi32>
            %parallel_loop3A_206 = arith.addi %parallel_loop3A_173, %parallel_loop3A_205 : vector<16xi32>
            tpu.vector_store_idx %arg11[%parallel_loop3A_206], %parallel_loop3A_203 : memref<29400xf32, #tpu.memory_space<vmem>>[vector<16xi32>], vector<16xf32>,
            %parallel_loop3A_207 = arith.mulf %parallel_loop3A_203, %parallel_loop3A_203 : vector<16xf32>
            %parallel_loop3A_208 = arith.addf %parallel_loop3A_194, %parallel_loop3A_207 : vector<16xf32>
            %parallel_loop3A_209 = vector.bitcast %parallel_loop3A_208 : vector<16xf32> to vector<16xi32>
            %parallel_loop3A_210 = arith.constant 1 : i32
            %parallel_loop3A_211 = vector.broadcast %parallel_loop3A_210 : i32 to vector<16xi32>
            %parallel_loop3A_212 = arith.shrsi %parallel_loop3A_209, %parallel_loop3A_211 : vector<16xi32>
            %parallel_loop3A_213 = arith.subi %broadcast_in_dim3A_14, %parallel_loop3A_212 : vector<16xi32>
            %parallel_loop3A_214 = vector.bitcast %parallel_loop3A_213 : vector<16xi32> to vector<16xf32>
            %parallel_loop3A_215 = arith.constant 5.000000e-01 : f32
            %parallel_loop3A_216 = vector.broadcast %parallel_loop3A_215 : f32 to vector<16xf32>
            %parallel_loop3A_217 = arith.mulf %parallel_loop3A_208, %parallel_loop3A_216 : vector<16xf32>
            %parallel_loop3A_218 = arith.mulf %parallel_loop3A_217, %parallel_loop3A_214 : vector<16xf32>
            %parallel_loop3A_219 = arith.mulf %parallel_loop3A_218, %parallel_loop3A_214 : vector<16xf32>
            %parallel_loop3A_220 = arith.subf %broadcast_in_dim3A_12, %parallel_loop3A_219 : vector<16xf32>
            %parallel_loop3A_221 = arith.mulf %parallel_loop3A_214, %parallel_loop3A_220 : vector<16xf32>
            %parallel_loop3A_222 = arith.mulf %parallel_loop3A_217, %parallel_loop3A_221 : vector<16xf32>
            %parallel_loop3A_223 = arith.mulf %parallel_loop3A_222, %parallel_loop3A_221 : vector<16xf32>
            %parallel_loop3A_224 = arith.subf %broadcast_in_dim3A_12, %parallel_loop3A_223 : vector<16xf32>
            %parallel_loop3A_225 = arith.mulf %parallel_loop3A_221, %parallel_loop3A_224 : vector<16xf32>
            %parallel_loop3A_226 = arith.mulf %parallel_loop3A_208, %parallel_loop3A_225 : vector<16xf32>
            %parallel_loop3A_227 = arith.addi %mul3A_136, %parallel_loop3A_154 : i32
            %parallel_loop3A_228 = arith.index_cast %parallel_loop3A_227 : i32 to index
            %parallel_loop3A_229 = tpu.vector_load %arg13[%parallel_loop3A_228] {strides = array<i32>} : memref<9800xf32, #tpu.memory_space<vmem>>, vector<16xf32>,
            tpu.vector_store %arg13[%parallel_loop3A_228], %parallel_loop3A_226 {strides = array<i32>} : memref<9800xf32, #tpu.memory_space<vmem>>, vector<16xf32>,
            %parallel_loop3A_230 = arith.addi %mul3A_146, %parallel_loop3A_158 : vector<16xi32>
            %parallel_loop3A_231 = arith.addi %mul3A_136, %parallel_loop3A_154 : i32
            %parallel_loop3A_232 = arith.index_cast %parallel_loop3A_231 : i32 to index
            %parallel_loop3A_233 = tpu.vector_load %arg15[%parallel_loop3A_232] {strides = array<i32>} : memref<9800xi32, #tpu.memory_space<vmem>>, vector<16xi32>,
            tpu.vector_store %arg15[%parallel_loop3A_232], %parallel_loop3A_230 {strides = array<i32>} : memref<9800xi32, #tpu.memory_space<vmem>>, vector<16xi32>,
            %parallel_loop3A_234 = arith.addi %mul3A_146, %parallel_loop3A_160 : vector<16xi32>
            %parallel_loop3A_235 = arith.addi %mul3A_136, %parallel_loop3A_154 : i32
            %parallel_loop3A_236 = arith.index_cast %parallel_loop3A_235 : i32 to index
            %parallel_loop3A_237 = tpu.vector_load %arg17[%parallel_loop3A_236] {strides = array<i32>} : memref<9800xi32, #tpu.memory_space<vmem>>, vector<16xi32>,
            tpu.vector_store %arg17[%parallel_loop3A_236], %parallel_loop3A_234 {strides = array<i32>} : memref<9800xi32, #tpu.memory_space<vmem>>, vector<16xi32>,
          } {sc.loop_unroll_factor = 2 : i64, sc.parallel_access}
          %scan3A_149 = arith.constant 0 : i32
          scf.yield %scan3A_149 : i32
        }
        %scan3A_107 = arith.constant 4 : i32
        %add3A_108 = arith.constant 2 : i32
        %add3A_109 = arith.addi %add3A_74, %add3A_108 : i32
        %lt3A_110 = arith.cmpi slt, %add3A_109, %add3A_8 : i32
        %convert_element_type3A_111 = arith.extui %lt3A_110 : i1 to i32
        %cond3A_112 = arith.constant 0 : i32
        %cond3A_113 = arith.cmpi ne, %convert_element_type3A_111, %cond3A_112 : i32
        scf.if %cond3A_113 {
          %add3A_131 = arith.constant 2 : i32
          %add3A_132 = arith.addi %add3A_88, %add3A_131 : i32
          %mul3A_133 = arith.constant 600 : i32
          %mul3A_134 = arith.muli %add3A_132, %mul3A_133 : i32
          %dma_start3A_135 = tpu.memref_slice %arg2[%mul3A_134] : memref<150000xf32, #tpu.memory_space<hbm>> -> memref<600xf32, #tpu.memory_space<hbm>>
          %dma_start3A_136 = tpu.memref_slice %arg2[%mul3A_134] : memref<150000xf32, #tpu.memory_space<hbm>> -> memref<600xf32, #tpu.memory_space<hbm>>
          tpu.enqueue_dma source(%dma_start3A_136 : memref<600xf32, #tpu.memory_space<hbm>>) target(%arg7 : memref<600xf32, #tpu.memory_space<vmem>>) target_semaphore(%arg23 : memref<!tpu.dma_semaphore, #tpu.memory_space<semaphore_mem>>)
          %add3A_137 = arith.constant 2 : i32
          %add3A_138 = arith.addi %add3A_88, %add3A_137 : i32
          %mul3A_139 = arith.constant 200 : i32
          %mul3A_140 = arith.muli %add3A_138, %mul3A_139 : i32
          %dma_start3A_141 = tpu.memref_slice %arg3[%mul3A_140] : memref<50000xi32, #tpu.memory_space<hbm>> -> memref<200xi32, #tpu.memory_space<hbm>>
          %dma_start3A_142 = tpu.memref_slice %arg3[%mul3A_140] : memref<50000xi32, #tpu.memory_space<hbm>> -> memref<200xi32, #tpu.memory_space<hbm>>
          tpu.enqueue_dma source(%dma_start3A_142 : memref<200xi32, #tpu.memory_space<hbm>>) target(%arg9 : memref<200xi32, #tpu.memory_space<vmem>>) target_semaphore(%arg23 : memref<!tpu.dma_semaphore, #tpu.memory_space<semaphore_mem>>)
        } else {
        }
        %mul3A_114 = arith.constant 29400 : i32
        %mul3A_115 = arith.muli %add3A_88, %mul3A_114 : i32
        %dma_start3A = tpu.memref_slice %arg4[%mul3A_115] : memref<7350000xf32, #tpu.memory_space<hbm>> -> memref<29400xf32, #tpu.memory_space<hbm>>
        %dma_start3A_116 = tpu.memref_slice %arg4[%mul3A_115] : memref<7350000xf32, #tpu.memory_space<hbm>> -> memref<29400xf32, #tpu.memory_space<hbm>>
        tpu.enqueue_dma source(%arg11 : memref<29400xf32, #tpu.memory_space<vmem>>) target(%dma_start3A_116 : memref<29400xf32, #tpu.memory_space<hbm>>) target_semaphore(%arg25 : memref<!tpu.dma_semaphore, #tpu.memory_space<semaphore_mem>>)
        %mul3A_117 = arith.constant 9800 : i32
        %mul3A_118 = arith.muli %add3A_88, %mul3A_117 : i32
        %dma_start3A_119 = tpu.memref_slice %arg5[%mul3A_118] : memref<2450000xf32, #tpu.memory_space<hbm>> -> memref<9800xf32, #tpu.memory_space<hbm>>
        %dma_start3A_120 = tpu.memref_slice %arg5[%mul3A_118] : memref<2450000xf32, #tpu.memory_space<hbm>> -> memref<9800xf32, #tpu.memory_space<hbm>>
        tpu.enqueue_dma source(%arg13 : memref<9800xf32, #tpu.memory_space<vmem>>) target(%dma_start3A_120 : memref<9800xf32, #tpu.memory_space<hbm>>) target_semaphore(%arg25 : memref<!tpu.dma_semaphore, #tpu.memory_space<semaphore_mem>>)
        %mul3A_121 = arith.constant 9800 : i32
        %mul3A_122 = arith.muli %add3A_88, %mul3A_121 : i32
        %dma_start3A_123 = tpu.memref_slice %arg6[%mul3A_122] : memref<4900000xi32, #tpu.memory_space<hbm>> -> memref<9800xi32, #tpu.memory_space<hbm>>
        %dma_start3A_124 = tpu.memref_slice %arg6[%mul3A_122] : memref<4900000xi32, #tpu.memory_space<hbm>> -> memref<9800xi32, #tpu.memory_space<hbm>>
        tpu.enqueue_dma source(%arg15 : memref<9800xi32, #tpu.memory_space<vmem>>) target(%dma_start3A_124 : memref<9800xi32, #tpu.memory_space<hbm>>) target_semaphore(%arg25 : memref<!tpu.dma_semaphore, #tpu.memory_space<semaphore_mem>>)
        %add3A_125 = arith.constant 250 : i32
        %add3A_126 = arith.addi %add3A_125, %add3A_88 : i32
        %mul3A_127 = arith.constant 9800 : i32
        %mul3A_128 = arith.muli %add3A_126, %mul3A_127 : i32
        %dma_start3A_129 = tpu.memref_slice %arg6[%mul3A_128] : memref<4900000xi32, #tpu.memory_space<hbm>> -> memref<9800xi32, #tpu.memory_space<hbm>>
        %dma_start3A_130 = tpu.memref_slice %arg6[%mul3A_128] : memref<4900000xi32, #tpu.memory_space<hbm>> -> memref<9800xi32, #tpu.memory_space<hbm>>
        tpu.enqueue_dma source(%arg17 : memref<9800xi32, #tpu.memory_space<vmem>>) target(%dma_start3A_130 : memref<9800xi32, #tpu.memory_space<hbm>>) target_semaphore(%arg25 : memref<!tpu.dma_semaphore, #tpu.memory_space<semaphore_mem>>)
      } else {
      }
      %mul3A_79 = arith.constant 2 : i32
      %mul3A_80 = arith.muli %mul3A_79, %while3A_69 : i32
      %add3A_81 = arith.constant 1 : i32
      %add3A_82 = arith.addi %mul3A_80, %add3A_81 : i32
      %lt3A_83 = arith.cmpi slt, %add3A_82, %add3A_8 : i32
      %convert_element_type3A_84 = arith.extui %lt3A_83 : i1 to i32
      %cond3A_85 = arith.constant 0 : i32
      %cond3A_86 = arith.cmpi ne, %convert_element_type3A_84, %cond3A_85 : i32
      scf.if %cond3A_86 {
        %add3A_88 = arith.addi %add3A_4, %add3A_82 : i32
        %dma_wait3A = arith.constant 0 : i32
        %dma_wait3A_89 = tpu.memref_slice %arg2[%dma_wait3A] : memref<150000xf32, #tpu.memory_space<hbm>> -> memref<600xf32, #tpu.memory_space<hbm>>
        %dma_wait3A_90 = arith.constant 0 : i32
        %dma_wait3A_91 = tpu.memref_slice %arg2[%dma_wait3A_90] : memref<150000xf32, #tpu.memory_space<hbm>> -> memref<600xf32, #tpu.memory_space<hbm>>
        tpu.wait_dma2 semaphore(%arg24 : memref<!tpu.dma_semaphore, #tpu.memory_space<semaphore_mem>>) src(%dma_wait3A_91 : memref<600xf32, #tpu.memory_space<hbm>>) dst(%arg8 : memref<600xf32, #tpu.memory_space<vmem>>)
        %dma_wait3A_92 = arith.constant 0 : i32
        %dma_wait3A_93 = tpu.memref_slice %arg3[%dma_wait3A_92] : memref<50000xi32, #tpu.memory_space<hbm>> -> memref<200xi32, #tpu.memory_space<hbm>>
        %dma_wait3A_94 = arith.constant 0 : i32
        %dma_wait3A_95 = tpu.memref_slice %arg3[%dma_wait3A_94] : memref<50000xi32, #tpu.memory_space<hbm>> -> memref<200xi32, #tpu.memory_space<hbm>>
        tpu.wait_dma2 semaphore(%arg24 : memref<!tpu.dma_semaphore, #tpu.memory_space<semaphore_mem>>) src(%dma_wait3A_95 : memref<200xi32, #tpu.memory_space<hbm>>) dst(%arg10 : memref<200xi32, #tpu.memory_space<vmem>>)
        %gt3A_96 = arith.constant 0 : i32
        %gt3A_97 = arith.cmpi sgt, %while3A_69, %gt3A_96 : i32
        %convert_element_type3A_98 = arith.extui %gt3A_97 : i1 to i32
        %cond3A_99 = arith.constant 0 : i32
        %cond3A_100 = arith.cmpi ne, %convert_element_type3A_98, %cond3A_99 : i32
        scf.if %cond3A_100 {
          %dma_wait3A_131 = arith.constant 0 : i32
          %dma_wait3A_132 = tpu.memref_slice %arg4[%dma_wait3A_131] : memref<7350000xf32, #tpu.memory_space<hbm>> -> memref<29400xf32, #tpu.memory_space<hbm>>
          %dma_wait3A_133 = arith.constant 0 : i32
          %dma_wait3A_134 = tpu.memref_slice %arg4[%dma_wait3A_133] : memref<7350000xf32, #tpu.memory_space<hbm>> -> memref<29400xf32, #tpu.memory_space<hbm>>
          tpu.wait_dma2 semaphore(%arg26 : memref<!tpu.dma_semaphore, #tpu.memory_space<semaphore_mem>>) src(%arg12 : memref<29400xf32, #tpu.memory_space<vmem>>) dst(%dma_wait3A_134 : memref<29400xf32, #tpu.memory_space<hbm>>)
          %dma_wait3A_135 = arith.constant 0 : i32
          %dma_wait3A_136 = tpu.memref_slice %arg5[%dma_wait3A_135] : memref<2450000xf32, #tpu.memory_space<hbm>> -> memref<9800xf32, #tpu.memory_space<hbm>>
          %dma_wait3A_137 = arith.constant 0 : i32
          %dma_wait3A_138 = tpu.memref_slice %arg5[%dma_wait3A_137] : memref<2450000xf32, #tpu.memory_space<hbm>> -> memref<9800xf32, #tpu.memory_space<hbm>>
          tpu.wait_dma2 semaphore(%arg26 : memref<!tpu.dma_semaphore, #tpu.memory_space<semaphore_mem>>) src(%arg14 : memref<9800xf32, #tpu.memory_space<vmem>>) dst(%dma_wait3A_138 : memref<9800xf32, #tpu.memory_space<hbm>>)
          %dma_wait3A_139 = arith.constant 0 : i32
          %dma_wait3A_140 = tpu.memref_slice %arg6[%dma_wait3A_139] : memref<4900000xi32, #tpu.memory_space<hbm>> -> memref<9800xi32, #tpu.memory_space<hbm>>
          %dma_wait3A_141 = arith.constant 0 : i32
          %dma_wait3A_142 = tpu.memref_slice %arg6[%dma_wait3A_141] : memref<4900000xi32, #tpu.memory_space<hbm>> -> memref<9800xi32, #tpu.memory_space<hbm>>
          tpu.wait_dma2 semaphore(%arg26 : memref<!tpu.dma_semaphore, #tpu.memory_space<semaphore_mem>>) src(%arg16 : memref<9800xi32, #tpu.memory_space<vmem>>) dst(%dma_wait3A_142 : memref<9800xi32, #tpu.memory_space<hbm>>)
          %dma_wait3A_143 = arith.constant 0 : i32
          %dma_wait3A_144 = tpu.memref_slice %arg6[%dma_wait3A_143] : memref<4900000xi32, #tpu.memory_space<hbm>> -> memref<9800xi32, #tpu.memory_space<hbm>>
          %dma_wait3A_145 = arith.constant 0 : i32
          %dma_wait3A_146 = tpu.memref_slice %arg6[%dma_wait3A_145] : memref<4900000xi32, #tpu.memory_space<hbm>> -> memref<9800xi32, #tpu.memory_space<hbm>>
          tpu.wait_dma2 semaphore(%arg26 : memref<!tpu.dma_semaphore, #tpu.memory_space<semaphore_mem>>) src(%arg18 : memref<9800xi32, #tpu.memory_space<vmem>>) dst(%dma_wait3A_146 : memref<9800xi32, #tpu.memory_space<hbm>>)
        } else {
        }
        %scan3A_101 = arith.constant 0 : i32
        %scan3A_102 = arith.constant 0 : i32
        %scan3A_103 = arith.constant 4 : i32
        %scan3A_104 = arith.addi %scan3A_102, %scan3A_103 : i32
        %scan3A_105 = arith.constant 1 : i32
        %scan3A_106 = scf.for %scan3A_131 = %scan3A_102 to %scan3A_104 step %scan3A_105 iter_args(%scan3A_132 = %scan3A_101) -> (i32)  : i32 {
          %mul3A_133 = arith.constant 150 : i32
          %mul3A_134 = arith.muli %scan3A_131, %mul3A_133 : i32
          %mul3A_135 = arith.constant 2450 : i32
          %mul3A_136 = arith.muli %scan3A_131, %mul3A_135 : i32
          %mul3A_137 = arith.constant 0 : i32
          %mul3A_138 = vector.broadcast %mul3A_137 : i32 to vector<16xi32>
          %mul3A_139 = arith.muli %iota3A, %mul3A_138 : vector<16xi32>
          %mul3A_140 = arith.constant 50 : i32
          %mul3A_141 = arith.muli %scan3A_131, %mul3A_140 : i32
          %add3A_142 = vector.broadcast %mul3A_141 : i32 to vector<16xi32>
          %add3A_143 = arith.addi %mul3A_139, %add3A_142 : vector<16xi32>
          %gather3A = tpu.vector_load_idx %arg10[%add3A_143] : memref<200xi32, #tpu.memory_space<vmem>>[vector<16xi32>], vector<16xi32>,
          %mul3A_144 = arith.constant 50 : i32
          %mul3A_145 = vector.broadcast %mul3A_144 : i32 to vector<16xi32>
          %mul3A_146 = arith.muli %gather3A, %mul3A_145 : vector<16xi32>
          %parallel_loop3A = arith.constant 0 : i32
          %parallel_loop3A_147 = arith.constant 154 : i32
          %parallel_loop3A_148 = arith.constant 1 : i32
          scf.for %parallel_loop3A_150 = %parallel_loop3A to %parallel_loop3A_147 step %parallel_loop3A_148  : i32 {
            %parallel_loop3A_151 = arith.constant 16 : i32
            %parallel_loop3A_152 = arith.muli %parallel_loop3A_150, %parallel_loop3A_151 : i32
            %parallel_loop3A_153 = arith.constant 2434 : i32
            %parallel_loop3A_154 = arith.minsi %parallel_loop3A_152, %parallel_loop3A_153 : i32
            %parallel_loop3A_155 = arith.constant 16 : i32
            %parallel_loop3A_156 = arith.muli %parallel_loop3A_150, %parallel_loop3A_155 : i32
            %parallel_loop3A_157 = arith.index_cast %parallel_loop3A_156 : i32 to index
            %parallel_loop3A_158 = tpu.vector_load %arg19[%parallel_loop3A_157] {strides = array<i32>} : memref<2464xi32, #tpu.memory_space<vmem>>, vector<16xi32>,
            %parallel_loop3A_159 = arith.index_cast %parallel_loop3A_156 : i32 to index
            %parallel_loop3A_160 = tpu.vector_load %arg20[%parallel_loop3A_159] {strides = array<i32>} : memref<2464xi32, #tpu.memory_space<vmem>>, vector<16xi32>,
            %parallel_loop3A_161 = arith.index_cast %parallel_loop3A_156 : i32 to index
            %parallel_loop3A_162 = tpu.vector_load %arg21[%parallel_loop3A_161] {strides = array<i32>} : memref<2464xi32, #tpu.memory_space<vmem>>, vector<16xi32>,
            %parallel_loop3A_163 = vector.broadcast %mul3A_134 : i32 to vector<16xi32>
            %parallel_loop3A_164 = arith.addi %parallel_loop3A_162, %parallel_loop3A_163 : vector<16xi32>
            %parallel_loop3A_165 = arith.index_cast %parallel_loop3A_156 : i32 to index
            %parallel_loop3A_166 = tpu.vector_load %arg22[%parallel_loop3A_165] {strides = array<i32>} : memref<2464xi32, #tpu.memory_space<vmem>>, vector<16xi32>,
            %parallel_loop3A_167 = vector.broadcast %mul3A_134 : i32 to vector<16xi32>
            %parallel_loop3A_168 = arith.addi %parallel_loop3A_166, %parallel_loop3A_167 : vector<16xi32>
            %parallel_loop3A_169 = arith.addi %mul3A_136, %parallel_loop3A_154 : i32
            %parallel_loop3A_170 = arith.constant 3 : i32
            %parallel_loop3A_171 = arith.muli %parallel_loop3A_169, %parallel_loop3A_170 : i32
            %parallel_loop3A_172 = vector.broadcast %parallel_loop3A_171 : i32 to vector<16xi32>
            %parallel_loop3A_173 = arith.addi %parallel_loop3A_172, %mul3A_11 : vector<16xi32>
            %parallel_loop3A_174 = arith.constant 0.000000e+00 : f32
            %parallel_loop3A_175 = vector.broadcast %parallel_loop3A_174 : f32 to vector<16xf32>
            %parallel_loop3A_176 = tpu.vector_load_idx %arg8[%parallel_loop3A_164] : memref<600xf32, #tpu.memory_space<vmem>>[vector<16xi32>], vector<16xf32>,
            %parallel_loop3A_177 = tpu.vector_load_idx %arg8[%parallel_loop3A_168] : memref<600xf32, #tpu.memory_space<vmem>>[vector<16xi32>], vector<16xf32>,
            %parallel_loop3A_178 = arith.subf %parallel_loop3A_177, %parallel_loop3A_176 : vector<16xf32>
            tpu.vector_store_idx %arg12[%parallel_loop3A_173], %parallel_loop3A_178 : memref<29400xf32, #tpu.memory_space<vmem>>[vector<16xi32>], vector<16xf32>,
            %parallel_loop3A_179 = arith.mulf %parallel_loop3A_178, %parallel_loop3A_178 : vector<16xf32>
            %parallel_loop3A_180 = arith.addf %parallel_loop3A_175, %parallel_loop3A_179 : vector<16xf32>
            %parallel_loop3A_181 = arith.constant 1 : i32
            %parallel_loop3A_182 = vector.broadcast %parallel_loop3A_181 : i32 to vector<16xi32>
            %parallel_loop3A_183 = arith.addi %parallel_loop3A_164, %parallel_loop3A_182 : vector<16xi32>
            %parallel_loop3A_184 = tpu.vector_load_idx %arg8[%parallel_loop3A_183] : memref<600xf32, #tpu.memory_space<vmem>>[vector<16xi32>], vector<16xf32>,
            %parallel_loop3A_185 = arith.constant 1 : i32
            %parallel_loop3A_186 = vector.broadcast %parallel_loop3A_185 : i32 to vector<16xi32>
            %parallel_loop3A_187 = arith.addi %parallel_loop3A_168, %parallel_loop3A_186 : vector<16xi32>
            %parallel_loop3A_188 = tpu.vector_load_idx %arg8[%parallel_loop3A_187] : memref<600xf32, #tpu.memory_space<vmem>>[vector<16xi32>], vector<16xf32>,
            %parallel_loop3A_189 = arith.subf %parallel_loop3A_188, %parallel_loop3A_184 : vector<16xf32>
            %parallel_loop3A_190 = arith.constant 1 : i32
            %parallel_loop3A_191 = vector.broadcast %parallel_loop3A_190 : i32 to vector<16xi32>
            %parallel_loop3A_192 = arith.addi %parallel_loop3A_173, %parallel_loop3A_191 : vector<16xi32>
            tpu.vector_store_idx %arg12[%parallel_loop3A_192], %parallel_loop3A_189 : memref<29400xf32, #tpu.memory_space<vmem>>[vector<16xi32>], vector<16xf32>,
            %parallel_loop3A_193 = arith.mulf %parallel_loop3A_189, %parallel_loop3A_189 : vector<16xf32>
            %parallel_loop3A_194 = arith.addf %parallel_loop3A_180, %parallel_loop3A_193 : vector<16xf32>
            %parallel_loop3A_195 = arith.constant 2 : i32
            %parallel_loop3A_196 = vector.broadcast %parallel_loop3A_195 : i32 to vector<16xi32>
            %parallel_loop3A_197 = arith.addi %parallel_loop3A_164, %parallel_loop3A_196 : vector<16xi32>
            %parallel_loop3A_198 = tpu.vector_load_idx %arg8[%parallel_loop3A_197] : memref<600xf32, #tpu.memory_space<vmem>>[vector<16xi32>], vector<16xf32>,
            %parallel_loop3A_199 = arith.constant 2 : i32
            %parallel_loop3A_200 = vector.broadcast %parallel_loop3A_199 : i32 to vector<16xi32>
            %parallel_loop3A_201 = arith.addi %parallel_loop3A_168, %parallel_loop3A_200 : vector<16xi32>
            %parallel_loop3A_202 = tpu.vector_load_idx %arg8[%parallel_loop3A_201] : memref<600xf32, #tpu.memory_space<vmem>>[vector<16xi32>], vector<16xf32>,
            %parallel_loop3A_203 = arith.subf %parallel_loop3A_202, %parallel_loop3A_198 : vector<16xf32>
            %parallel_loop3A_204 = arith.constant 2 : i32
            %parallel_loop3A_205 = vector.broadcast %parallel_loop3A_204 : i32 to vector<16xi32>
            %parallel_loop3A_206 = arith.addi %parallel_loop3A_173, %parallel_loop3A_205 : vector<16xi32>
            tpu.vector_store_idx %arg12[%parallel_loop3A_206], %parallel_loop3A_203 : memref<29400xf32, #tpu.memory_space<vmem>>[vector<16xi32>], vector<16xf32>,
            %parallel_loop3A_207 = arith.mulf %parallel_loop3A_203, %parallel_loop3A_203 : vector<16xf32>
            %parallel_loop3A_208 = arith.addf %parallel_loop3A_194, %parallel_loop3A_207 : vector<16xf32>
            %parallel_loop3A_209 = vector.bitcast %parallel_loop3A_208 : vector<16xf32> to vector<16xi32>
            %parallel_loop3A_210 = arith.constant 1 : i32
            %parallel_loop3A_211 = vector.broadcast %parallel_loop3A_210 : i32 to vector<16xi32>
            %parallel_loop3A_212 = arith.shrsi %parallel_loop3A_209, %parallel_loop3A_211 : vector<16xi32>
            %parallel_loop3A_213 = arith.subi %broadcast_in_dim3A_14, %parallel_loop3A_212 : vector<16xi32>
            %parallel_loop3A_214 = vector.bitcast %parallel_loop3A_213 : vector<16xi32> to vector<16xf32>
            %parallel_loop3A_215 = arith.constant 5.000000e-01 : f32
            %parallel_loop3A_216 = vector.broadcast %parallel_loop3A_215 : f32 to vector<16xf32>
            %parallel_loop3A_217 = arith.mulf %parallel_loop3A_208, %parallel_loop3A_216 : vector<16xf32>
            %parallel_loop3A_218 = arith.mulf %parallel_loop3A_217, %parallel_loop3A_214 : vector<16xf32>
            %parallel_loop3A_219 = arith.mulf %parallel_loop3A_218, %parallel_loop3A_214 : vector<16xf32>
            %parallel_loop3A_220 = arith.subf %broadcast_in_dim3A_12, %parallel_loop3A_219 : vector<16xf32>
            %parallel_loop3A_221 = arith.mulf %parallel_loop3A_214, %parallel_loop3A_220 : vector<16xf32>
            %parallel_loop3A_222 = arith.mulf %parallel_loop3A_217, %parallel_loop3A_221 : vector<16xf32>
            %parallel_loop3A_223 = arith.mulf %parallel_loop3A_222, %parallel_loop3A_221 : vector<16xf32>
            %parallel_loop3A_224 = arith.subf %broadcast_in_dim3A_12, %parallel_loop3A_223 : vector<16xf32>
            %parallel_loop3A_225 = arith.mulf %parallel_loop3A_221, %parallel_loop3A_224 : vector<16xf32>
            %parallel_loop3A_226 = arith.mulf %parallel_loop3A_208, %parallel_loop3A_225 : vector<16xf32>
            %parallel_loop3A_227 = arith.addi %mul3A_136, %parallel_loop3A_154 : i32
            %parallel_loop3A_228 = arith.index_cast %parallel_loop3A_227 : i32 to index
            %parallel_loop3A_229 = tpu.vector_load %arg14[%parallel_loop3A_228] {strides = array<i32>} : memref<9800xf32, #tpu.memory_space<vmem>>, vector<16xf32>,
            tpu.vector_store %arg14[%parallel_loop3A_228], %parallel_loop3A_226 {strides = array<i32>} : memref<9800xf32, #tpu.memory_space<vmem>>, vector<16xf32>,
            %parallel_loop3A_230 = arith.addi %mul3A_146, %parallel_loop3A_158 : vector<16xi32>
            %parallel_loop3A_231 = arith.addi %mul3A_136, %parallel_loop3A_154 : i32
            %parallel_loop3A_232 = arith.index_cast %parallel_loop3A_231 : i32 to index
            %parallel_loop3A_233 = tpu.vector_load %arg16[%parallel_loop3A_232] {strides = array<i32>} : memref<9800xi32, #tpu.memory_space<vmem>>, vector<16xi32>,
            tpu.vector_store %arg16[%parallel_loop3A_232], %parallel_loop3A_230 {strides = array<i32>} : memref<9800xi32, #tpu.memory_space<vmem>>, vector<16xi32>,
            %parallel_loop3A_234 = arith.addi %mul3A_146, %parallel_loop3A_160 : vector<16xi32>
            %parallel_loop3A_235 = arith.addi %mul3A_136, %parallel_loop3A_154 : i32
            %parallel_loop3A_236 = arith.index_cast %parallel_loop3A_235 : i32 to index
            %parallel_loop3A_237 = tpu.vector_load %arg18[%parallel_loop3A_236] {strides = array<i32>} : memref<9800xi32, #tpu.memory_space<vmem>>, vector<16xi32>,
            tpu.vector_store %arg18[%parallel_loop3A_236], %parallel_loop3A_234 {strides = array<i32>} : memref<9800xi32, #tpu.memory_space<vmem>>, vector<16xi32>,
          } {sc.loop_unroll_factor = 2 : i64, sc.parallel_access}
          %scan3A_149 = arith.constant 0 : i32
          scf.yield %scan3A_149 : i32
        }
        %scan3A_107 = arith.constant 4 : i32
        %add3A_108 = arith.constant 2 : i32
        %add3A_109 = arith.addi %add3A_82, %add3A_108 : i32
        %lt3A_110 = arith.cmpi slt, %add3A_109, %add3A_8 : i32
        %convert_element_type3A_111 = arith.extui %lt3A_110 : i1 to i32
        %cond3A_112 = arith.constant 0 : i32
        %cond3A_113 = arith.cmpi ne, %convert_element_type3A_111, %cond3A_112 : i32
        scf.if %cond3A_113 {
          %add3A_131 = arith.constant 2 : i32
          %add3A_132 = arith.addi %add3A_88, %add3A_131 : i32
          %mul3A_133 = arith.constant 600 : i32
          %mul3A_134 = arith.muli %add3A_132, %mul3A_133 : i32
          %dma_start3A_135 = tpu.memref_slice %arg2[%mul3A_134] : memref<150000xf32, #tpu.memory_space<hbm>> -> memref<600xf32, #tpu.memory_space<hbm>>
          %dma_start3A_136 = tpu.memref_slice %arg2[%mul3A_134] : memref<150000xf32, #tpu.memory_space<hbm>> -> memref<600xf32, #tpu.memory_space<hbm>>
          tpu.enqueue_dma source(%dma_start3A_136 : memref<600xf32, #tpu.memory_space<hbm>>) target(%arg8 : memref<600xf32, #tpu.memory_space<vmem>>) target_semaphore(%arg24 : memref<!tpu.dma_semaphore, #tpu.memory_space<semaphore_mem>>)
          %add3A_137 = arith.constant 2 : i32
          %add3A_138 = arith.addi %add3A_88, %add3A_137 : i32
          %mul3A_139 = arith.constant 200 : i32
          %mul3A_140 = arith.muli %add3A_138, %mul3A_139 : i32
          %dma_start3A_141 = tpu.memref_slice %arg3[%mul3A_140] : memref<50000xi32, #tpu.memory_space<hbm>> -> memref<200xi32, #tpu.memory_space<hbm>>
          %dma_start3A_142 = tpu.memref_slice %arg3[%mul3A_140] : memref<50000xi32, #tpu.memory_space<hbm>> -> memref<200xi32, #tpu.memory_space<hbm>>
          tpu.enqueue_dma source(%dma_start3A_142 : memref<200xi32, #tpu.memory_space<hbm>>) target(%arg10 : memref<200xi32, #tpu.memory_space<vmem>>) target_semaphore(%arg24 : memref<!tpu.dma_semaphore, #tpu.memory_space<semaphore_mem>>)
        } else {
        }
        %mul3A_114 = arith.constant 29400 : i32
        %mul3A_115 = arith.muli %add3A_88, %mul3A_114 : i32
        %dma_start3A = tpu.memref_slice %arg4[%mul3A_115] : memref<7350000xf32, #tpu.memory_space<hbm>> -> memref<29400xf32, #tpu.memory_space<hbm>>
        %dma_start3A_116 = tpu.memref_slice %arg4[%mul3A_115] : memref<7350000xf32, #tpu.memory_space<hbm>> -> memref<29400xf32, #tpu.memory_space<hbm>>
        tpu.enqueue_dma source(%arg12 : memref<29400xf32, #tpu.memory_space<vmem>>) target(%dma_start3A_116 : memref<29400xf32, #tpu.memory_space<hbm>>) target_semaphore(%arg26 : memref<!tpu.dma_semaphore, #tpu.memory_space<semaphore_mem>>)
        %mul3A_117 = arith.constant 9800 : i32
        %mul3A_118 = arith.muli %add3A_88, %mul3A_117 : i32
        %dma_start3A_119 = tpu.memref_slice %arg5[%mul3A_118] : memref<2450000xf32, #tpu.memory_space<hbm>> -> memref<9800xf32, #tpu.memory_space<hbm>>
        %dma_start3A_120 = tpu.memref_slice %arg5[%mul3A_118] : memref<2450000xf32, #tpu.memory_space<hbm>> -> memref<9800xf32, #tpu.memory_space<hbm>>
        tpu.enqueue_dma source(%arg14 : memref<9800xf32, #tpu.memory_space<vmem>>) target(%dma_start3A_120 : memref<9800xf32, #tpu.memory_space<hbm>>) target_semaphore(%arg26 : memref<!tpu.dma_semaphore, #tpu.memory_space<semaphore_mem>>)
        %mul3A_121 = arith.constant 9800 : i32
        %mul3A_122 = arith.muli %add3A_88, %mul3A_121 : i32
        %dma_start3A_123 = tpu.memref_slice %arg6[%mul3A_122] : memref<4900000xi32, #tpu.memory_space<hbm>> -> memref<9800xi32, #tpu.memory_space<hbm>>
        %dma_start3A_124 = tpu.memref_slice %arg6[%mul3A_122] : memref<4900000xi32, #tpu.memory_space<hbm>> -> memref<9800xi32, #tpu.memory_space<hbm>>
        tpu.enqueue_dma source(%arg16 : memref<9800xi32, #tpu.memory_space<vmem>>) target(%dma_start3A_124 : memref<9800xi32, #tpu.memory_space<hbm>>) target_semaphore(%arg26 : memref<!tpu.dma_semaphore, #tpu.memory_space<semaphore_mem>>)
        %add3A_125 = arith.constant 250 : i32
        %add3A_126 = arith.addi %add3A_125, %add3A_88 : i32
        %mul3A_127 = arith.constant 9800 : i32
        %mul3A_128 = arith.muli %add3A_126, %mul3A_127 : i32
        %dma_start3A_129 = tpu.memref_slice %arg6[%mul3A_128] : memref<4900000xi32, #tpu.memory_space<hbm>> -> memref<9800xi32, #tpu.memory_space<hbm>>
        %dma_start3A_130 = tpu.memref_slice %arg6[%mul3A_128] : memref<4900000xi32, #tpu.memory_space<hbm>> -> memref<9800xi32, #tpu.memory_space<hbm>>
        tpu.enqueue_dma source(%arg18 : memref<9800xi32, #tpu.memory_space<vmem>>) target(%dma_start3A_130 : memref<9800xi32, #tpu.memory_space<hbm>>) target_semaphore(%arg26 : memref<!tpu.dma_semaphore, #tpu.memory_space<semaphore_mem>>)
      } else {
      }
      %while3A_87 = arith.constant 0 : i32
      scf.yield %while3A_87 : i32
    }
    %while3A_57 = arith.constant 1 : i32
    %while3A_58 = scf.for %while3A_69 = %while3A_54 to %while3A_50 step %while3A_57 iter_args(%while3A_70 = %while3A_56) -> (i32)  : i32 {
      %mul3A_71 = arith.constant 2 : i32
      %mul3A_72 = arith.muli %mul3A_71, %while3A_69 : i32
      %add3A_73 = arith.constant 0 : i32
      %add3A_74 = arith.addi %mul3A_72, %add3A_73 : i32
      %lt3A_75 = arith.cmpi slt, %add3A_74, %add3A_8 : i32
      %convert_element_type3A_76 = arith.extui %lt3A_75 : i1 to i32
      %cond3A_77 = arith.constant 0 : i32
      %cond3A_78 = arith.cmpi ne, %convert_element_type3A_76, %cond3A_77 : i32
      scf.if %cond3A_78 {
        %add3A_88 = arith.addi %add3A_4, %add3A_74 : i32
        %dma_wait3A = arith.constant 0 : i32
        %dma_wait3A_89 = tpu.memref_slice %arg2[%dma_wait3A] : memref<150000xf32, #tpu.memory_space<hbm>> -> memref<600xf32, #tpu.memory_space<hbm>>
        %dma_wait3A_90 = arith.constant 0 : i32
        %dma_wait3A_91 = tpu.memref_slice %arg2[%dma_wait3A_90] : memref<150000xf32, #tpu.memory_space<hbm>> -> memref<600xf32, #tpu.memory_space<hbm>>
        tpu.wait_dma2 semaphore(%arg23 : memref<!tpu.dma_semaphore, #tpu.memory_space<semaphore_mem>>) src(%dma_wait3A_91 : memref<600xf32, #tpu.memory_space<hbm>>) dst(%arg7 : memref<600xf32, #tpu.memory_space<vmem>>)
        %dma_wait3A_92 = arith.constant 0 : i32
        %dma_wait3A_93 = tpu.memref_slice %arg3[%dma_wait3A_92] : memref<50000xi32, #tpu.memory_space<hbm>> -> memref<200xi32, #tpu.memory_space<hbm>>
        %dma_wait3A_94 = arith.constant 0 : i32
        %dma_wait3A_95 = tpu.memref_slice %arg3[%dma_wait3A_94] : memref<50000xi32, #tpu.memory_space<hbm>> -> memref<200xi32, #tpu.memory_space<hbm>>
        tpu.wait_dma2 semaphore(%arg23 : memref<!tpu.dma_semaphore, #tpu.memory_space<semaphore_mem>>) src(%dma_wait3A_95 : memref<200xi32, #tpu.memory_space<hbm>>) dst(%arg9 : memref<200xi32, #tpu.memory_space<vmem>>)
        %gt3A_96 = arith.constant 0 : i32
        %gt3A_97 = arith.cmpi sgt, %while3A_69, %gt3A_96 : i32
        %convert_element_type3A_98 = arith.extui %gt3A_97 : i1 to i32
        %cond3A_99 = arith.constant 0 : i32
        %cond3A_100 = arith.cmpi ne, %convert_element_type3A_98, %cond3A_99 : i32
        scf.if %cond3A_100 {
          %dma_wait3A_131 = arith.constant 0 : i32
          %dma_wait3A_132 = tpu.memref_slice %arg4[%dma_wait3A_131] : memref<7350000xf32, #tpu.memory_space<hbm>> -> memref<29400xf32, #tpu.memory_space<hbm>>
          %dma_wait3A_133 = arith.constant 0 : i32
          %dma_wait3A_134 = tpu.memref_slice %arg4[%dma_wait3A_133] : memref<7350000xf32, #tpu.memory_space<hbm>> -> memref<29400xf32, #tpu.memory_space<hbm>>
          tpu.wait_dma2 semaphore(%arg25 : memref<!tpu.dma_semaphore, #tpu.memory_space<semaphore_mem>>) src(%arg11 : memref<29400xf32, #tpu.memory_space<vmem>>) dst(%dma_wait3A_134 : memref<29400xf32, #tpu.memory_space<hbm>>)
          %dma_wait3A_135 = arith.constant 0 : i32
          %dma_wait3A_136 = tpu.memref_slice %arg5[%dma_wait3A_135] : memref<2450000xf32, #tpu.memory_space<hbm>> -> memref<9800xf32, #tpu.memory_space<hbm>>
          %dma_wait3A_137 = arith.constant 0 : i32
          %dma_wait3A_138 = tpu.memref_slice %arg5[%dma_wait3A_137] : memref<2450000xf32, #tpu.memory_space<hbm>> -> memref<9800xf32, #tpu.memory_space<hbm>>
          tpu.wait_dma2 semaphore(%arg25 : memref<!tpu.dma_semaphore, #tpu.memory_space<semaphore_mem>>) src(%arg13 : memref<9800xf32, #tpu.memory_space<vmem>>) dst(%dma_wait3A_138 : memref<9800xf32, #tpu.memory_space<hbm>>)
          %dma_wait3A_139 = arith.constant 0 : i32
          %dma_wait3A_140 = tpu.memref_slice %arg6[%dma_wait3A_139] : memref<4900000xi32, #tpu.memory_space<hbm>> -> memref<9800xi32, #tpu.memory_space<hbm>>
          %dma_wait3A_141 = arith.constant 0 : i32
          %dma_wait3A_142 = tpu.memref_slice %arg6[%dma_wait3A_141] : memref<4900000xi32, #tpu.memory_space<hbm>> -> memref<9800xi32, #tpu.memory_space<hbm>>
          tpu.wait_dma2 semaphore(%arg25 : memref<!tpu.dma_semaphore, #tpu.memory_space<semaphore_mem>>) src(%arg15 : memref<9800xi32, #tpu.memory_space<vmem>>) dst(%dma_wait3A_142 : memref<9800xi32, #tpu.memory_space<hbm>>)
          %dma_wait3A_143 = arith.constant 0 : i32
          %dma_wait3A_144 = tpu.memref_slice %arg6[%dma_wait3A_143] : memref<4900000xi32, #tpu.memory_space<hbm>> -> memref<9800xi32, #tpu.memory_space<hbm>>
          %dma_wait3A_145 = arith.constant 0 : i32
          %dma_wait3A_146 = tpu.memref_slice %arg6[%dma_wait3A_145] : memref<4900000xi32, #tpu.memory_space<hbm>> -> memref<9800xi32, #tpu.memory_space<hbm>>
          tpu.wait_dma2 semaphore(%arg25 : memref<!tpu.dma_semaphore, #tpu.memory_space<semaphore_mem>>) src(%arg17 : memref<9800xi32, #tpu.memory_space<vmem>>) dst(%dma_wait3A_146 : memref<9800xi32, #tpu.memory_space<hbm>>)
        } else {
        }
        %scan3A_101 = arith.constant 0 : i32
        %scan3A_102 = arith.constant 0 : i32
        %scan3A_103 = arith.constant 4 : i32
        %scan3A_104 = arith.addi %scan3A_102, %scan3A_103 : i32
        %scan3A_105 = arith.constant 1 : i32
        %scan3A_106 = scf.for %scan3A_131 = %scan3A_102 to %scan3A_104 step %scan3A_105 iter_args(%scan3A_132 = %scan3A_101) -> (i32)  : i32 {
          %mul3A_133 = arith.constant 150 : i32
          %mul3A_134 = arith.muli %scan3A_131, %mul3A_133 : i32
          %mul3A_135 = arith.constant 2450 : i32
          %mul3A_136 = arith.muli %scan3A_131, %mul3A_135 : i32
          %mul3A_137 = arith.constant 0 : i32
          %mul3A_138 = vector.broadcast %mul3A_137 : i32 to vector<16xi32>
          %mul3A_139 = arith.muli %iota3A, %mul3A_138 : vector<16xi32>
          %mul3A_140 = arith.constant 50 : i32
          %mul3A_141 = arith.muli %scan3A_131, %mul3A_140 : i32
          %add3A_142 = vector.broadcast %mul3A_141 : i32 to vector<16xi32>
          %add3A_143 = arith.addi %mul3A_139, %add3A_142 : vector<16xi32>
          %gather3A = tpu.vector_load_idx %arg9[%add3A_143] : memref<200xi32, #tpu.memory_space<vmem>>[vector<16xi32>], vector<16xi32>,
          %mul3A_144 = arith.constant 50 : i32
          %mul3A_145 = vector.broadcast %mul3A_144 : i32 to vector<16xi32>
          %mul3A_146 = arith.muli %gather3A, %mul3A_145 : vector<16xi32>
          %parallel_loop3A = arith.constant 0 : i32
          %parallel_loop3A_147 = arith.constant 154 : i32
          %parallel_loop3A_148 = arith.constant 1 : i32
          scf.for %parallel_loop3A_150 = %parallel_loop3A to %parallel_loop3A_147 step %parallel_loop3A_148  : i32 {
            %parallel_loop3A_151 = arith.constant 16 : i32
            %parallel_loop3A_152 = arith.muli %parallel_loop3A_150, %parallel_loop3A_151 : i32
            %parallel_loop3A_153 = arith.constant 2434 : i32
            %parallel_loop3A_154 = arith.minsi %parallel_loop3A_152, %parallel_loop3A_153 : i32
            %parallel_loop3A_155 = arith.constant 16 : i32
            %parallel_loop3A_156 = arith.muli %parallel_loop3A_150, %parallel_loop3A_155 : i32
            %parallel_loop3A_157 = arith.index_cast %parallel_loop3A_156 : i32 to index
            %parallel_loop3A_158 = tpu.vector_load %arg19[%parallel_loop3A_157] {strides = array<i32>} : memref<2464xi32, #tpu.memory_space<vmem>>, vector<16xi32>,
            %parallel_loop3A_159 = arith.index_cast %parallel_loop3A_156 : i32 to index
            %parallel_loop3A_160 = tpu.vector_load %arg20[%parallel_loop3A_159] {strides = array<i32>} : memref<2464xi32, #tpu.memory_space<vmem>>, vector<16xi32>,
            %parallel_loop3A_161 = arith.index_cast %parallel_loop3A_156 : i32 to index
            %parallel_loop3A_162 = tpu.vector_load %arg21[%parallel_loop3A_161] {strides = array<i32>} : memref<2464xi32, #tpu.memory_space<vmem>>, vector<16xi32>,
            %parallel_loop3A_163 = vector.broadcast %mul3A_134 : i32 to vector<16xi32>
            %parallel_loop3A_164 = arith.addi %parallel_loop3A_162, %parallel_loop3A_163 : vector<16xi32>
            %parallel_loop3A_165 = arith.index_cast %parallel_loop3A_156 : i32 to index
            %parallel_loop3A_166 = tpu.vector_load %arg22[%parallel_loop3A_165] {strides = array<i32>} : memref<2464xi32, #tpu.memory_space<vmem>>, vector<16xi32>,
            %parallel_loop3A_167 = vector.broadcast %mul3A_134 : i32 to vector<16xi32>
            %parallel_loop3A_168 = arith.addi %parallel_loop3A_166, %parallel_loop3A_167 : vector<16xi32>
            %parallel_loop3A_169 = arith.addi %mul3A_136, %parallel_loop3A_154 : i32
            %parallel_loop3A_170 = arith.constant 3 : i32
            %parallel_loop3A_171 = arith.muli %parallel_loop3A_169, %parallel_loop3A_170 : i32
            %parallel_loop3A_172 = vector.broadcast %parallel_loop3A_171 : i32 to vector<16xi32>
            %parallel_loop3A_173 = arith.addi %parallel_loop3A_172, %mul3A_11 : vector<16xi32>
            %parallel_loop3A_174 = arith.constant 0.000000e+00 : f32
            %parallel_loop3A_175 = vector.broadcast %parallel_loop3A_174 : f32 to vector<16xf32>
            %parallel_loop3A_176 = tpu.vector_load_idx %arg7[%parallel_loop3A_164] : memref<600xf32, #tpu.memory_space<vmem>>[vector<16xi32>], vector<16xf32>,
            %parallel_loop3A_177 = tpu.vector_load_idx %arg7[%parallel_loop3A_168] : memref<600xf32, #tpu.memory_space<vmem>>[vector<16xi32>], vector<16xf32>,
            %parallel_loop3A_178 = arith.subf %parallel_loop3A_177, %parallel_loop3A_176 : vector<16xf32>
            tpu.vector_store_idx %arg11[%parallel_loop3A_173], %parallel_loop3A_178 : memref<29400xf32, #tpu.memory_space<vmem>>[vector<16xi32>], vector<16xf32>,
            %parallel_loop3A_179 = arith.mulf %parallel_loop3A_178, %parallel_loop3A_178 : vector<16xf32>
            %parallel_loop3A_180 = arith.addf %parallel_loop3A_175, %parallel_loop3A_179 : vector<16xf32>
            %parallel_loop3A_181 = arith.constant 1 : i32
            %parallel_loop3A_182 = vector.broadcast %parallel_loop3A_181 : i32 to vector<16xi32>
            %parallel_loop3A_183 = arith.addi %parallel_loop3A_164, %parallel_loop3A_182 : vector<16xi32>
            %parallel_loop3A_184 = tpu.vector_load_idx %arg7[%parallel_loop3A_183] : memref<600xf32, #tpu.memory_space<vmem>>[vector<16xi32>], vector<16xf32>,
            %parallel_loop3A_185 = arith.constant 1 : i32
            %parallel_loop3A_186 = vector.broadcast %parallel_loop3A_185 : i32 to vector<16xi32>
            %parallel_loop3A_187 = arith.addi %parallel_loop3A_168, %parallel_loop3A_186 : vector<16xi32>
            %parallel_loop3A_188 = tpu.vector_load_idx %arg7[%parallel_loop3A_187] : memref<600xf32, #tpu.memory_space<vmem>>[vector<16xi32>], vector<16xf32>,
            %parallel_loop3A_189 = arith.subf %parallel_loop3A_188, %parallel_loop3A_184 : vector<16xf32>
            %parallel_loop3A_190 = arith.constant 1 : i32
            %parallel_loop3A_191 = vector.broadcast %parallel_loop3A_190 : i32 to vector<16xi32>
            %parallel_loop3A_192 = arith.addi %parallel_loop3A_173, %parallel_loop3A_191 : vector<16xi32>
            tpu.vector_store_idx %arg11[%parallel_loop3A_192], %parallel_loop3A_189 : memref<29400xf32, #tpu.memory_space<vmem>>[vector<16xi32>], vector<16xf32>,
            %parallel_loop3A_193 = arith.mulf %parallel_loop3A_189, %parallel_loop3A_189 : vector<16xf32>
            %parallel_loop3A_194 = arith.addf %parallel_loop3A_180, %parallel_loop3A_193 : vector<16xf32>
            %parallel_loop3A_195 = arith.constant 2 : i32
            %parallel_loop3A_196 = vector.broadcast %parallel_loop3A_195 : i32 to vector<16xi32>
            %parallel_loop3A_197 = arith.addi %parallel_loop3A_164, %parallel_loop3A_196 : vector<16xi32>
            %parallel_loop3A_198 = tpu.vector_load_idx %arg7[%parallel_loop3A_197] : memref<600xf32, #tpu.memory_space<vmem>>[vector<16xi32>], vector<16xf32>,
            %parallel_loop3A_199 = arith.constant 2 : i32
            %parallel_loop3A_200 = vector.broadcast %parallel_loop3A_199 : i32 to vector<16xi32>
            %parallel_loop3A_201 = arith.addi %parallel_loop3A_168, %parallel_loop3A_200 : vector<16xi32>
            %parallel_loop3A_202 = tpu.vector_load_idx %arg7[%parallel_loop3A_201] : memref<600xf32, #tpu.memory_space<vmem>>[vector<16xi32>], vector<16xf32>,
            %parallel_loop3A_203 = arith.subf %parallel_loop3A_202, %parallel_loop3A_198 : vector<16xf32>
            %parallel_loop3A_204 = arith.constant 2 : i32
            %parallel_loop3A_205 = vector.broadcast %parallel_loop3A_204 : i32 to vector<16xi32>
            %parallel_loop3A_206 = arith.addi %parallel_loop3A_173, %parallel_loop3A_205 : vector<16xi32>
            tpu.vector_store_idx %arg11[%parallel_loop3A_206], %parallel_loop3A_203 : memref<29400xf32, #tpu.memory_space<vmem>>[vector<16xi32>], vector<16xf32>,
            %parallel_loop3A_207 = arith.mulf %parallel_loop3A_203, %parallel_loop3A_203 : vector<16xf32>
            %parallel_loop3A_208 = arith.addf %parallel_loop3A_194, %parallel_loop3A_207 : vector<16xf32>
            %parallel_loop3A_209 = vector.bitcast %parallel_loop3A_208 : vector<16xf32> to vector<16xi32>
            %parallel_loop3A_210 = arith.constant 1 : i32
            %parallel_loop3A_211 = vector.broadcast %parallel_loop3A_210 : i32 to vector<16xi32>
            %parallel_loop3A_212 = arith.shrsi %parallel_loop3A_209, %parallel_loop3A_211 : vector<16xi32>
            %parallel_loop3A_213 = arith.subi %broadcast_in_dim3A_14, %parallel_loop3A_212 : vector<16xi32>
            %parallel_loop3A_214 = vector.bitcast %parallel_loop3A_213 : vector<16xi32> to vector<16xf32>
            %parallel_loop3A_215 = arith.constant 5.000000e-01 : f32
            %parallel_loop3A_216 = vector.broadcast %parallel_loop3A_215 : f32 to vector<16xf32>
            %parallel_loop3A_217 = arith.mulf %parallel_loop3A_208, %parallel_loop3A_216 : vector<16xf32>
            %parallel_loop3A_218 = arith.mulf %parallel_loop3A_217, %parallel_loop3A_214 : vector<16xf32>
            %parallel_loop3A_219 = arith.mulf %parallel_loop3A_218, %parallel_loop3A_214 : vector<16xf32>
            %parallel_loop3A_220 = arith.subf %broadcast_in_dim3A_12, %parallel_loop3A_219 : vector<16xf32>
            %parallel_loop3A_221 = arith.mulf %parallel_loop3A_214, %parallel_loop3A_220 : vector<16xf32>
            %parallel_loop3A_222 = arith.mulf %parallel_loop3A_217, %parallel_loop3A_221 : vector<16xf32>
            %parallel_loop3A_223 = arith.mulf %parallel_loop3A_222, %parallel_loop3A_221 : vector<16xf32>
            %parallel_loop3A_224 = arith.subf %broadcast_in_dim3A_12, %parallel_loop3A_223 : vector<16xf32>
            %parallel_loop3A_225 = arith.mulf %parallel_loop3A_221, %parallel_loop3A_224 : vector<16xf32>
            %parallel_loop3A_226 = arith.mulf %parallel_loop3A_208, %parallel_loop3A_225 : vector<16xf32>
            %parallel_loop3A_227 = arith.addi %mul3A_136, %parallel_loop3A_154 : i32
            %parallel_loop3A_228 = arith.index_cast %parallel_loop3A_227 : i32 to index
            %parallel_loop3A_229 = tpu.vector_load %arg13[%parallel_loop3A_228] {strides = array<i32>} : memref<9800xf32, #tpu.memory_space<vmem>>, vector<16xf32>,
            tpu.vector_store %arg13[%parallel_loop3A_228], %parallel_loop3A_226 {strides = array<i32>} : memref<9800xf32, #tpu.memory_space<vmem>>, vector<16xf32>,
            %parallel_loop3A_230 = arith.addi %mul3A_146, %parallel_loop3A_158 : vector<16xi32>
            %parallel_loop3A_231 = arith.addi %mul3A_136, %parallel_loop3A_154 : i32
            %parallel_loop3A_232 = arith.index_cast %parallel_loop3A_231 : i32 to index
            %parallel_loop3A_233 = tpu.vector_load %arg15[%parallel_loop3A_232] {strides = array<i32>} : memref<9800xi32, #tpu.memory_space<vmem>>, vector<16xi32>,
            tpu.vector_store %arg15[%parallel_loop3A_232], %parallel_loop3A_230 {strides = array<i32>} : memref<9800xi32, #tpu.memory_space<vmem>>, vector<16xi32>,
            %parallel_loop3A_234 = arith.addi %mul3A_146, %parallel_loop3A_160 : vector<16xi32>
            %parallel_loop3A_235 = arith.addi %mul3A_136, %parallel_loop3A_154 : i32
            %parallel_loop3A_236 = arith.index_cast %parallel_loop3A_235 : i32 to index
            %parallel_loop3A_237 = tpu.vector_load %arg17[%parallel_loop3A_236] {strides = array<i32>} : memref<9800xi32, #tpu.memory_space<vmem>>, vector<16xi32>,
            tpu.vector_store %arg17[%parallel_loop3A_236], %parallel_loop3A_234 {strides = array<i32>} : memref<9800xi32, #tpu.memory_space<vmem>>, vector<16xi32>,
          } {sc.loop_unroll_factor = 2 : i64, sc.parallel_access}
          %scan3A_149 = arith.constant 0 : i32
          scf.yield %scan3A_149 : i32
        }
        %scan3A_107 = arith.constant 4 : i32
        %add3A_108 = arith.constant 2 : i32
        %add3A_109 = arith.addi %add3A_74, %add3A_108 : i32
        %lt3A_110 = arith.cmpi slt, %add3A_109, %add3A_8 : i32
        %convert_element_type3A_111 = arith.extui %lt3A_110 : i1 to i32
        %cond3A_112 = arith.constant 0 : i32
        %cond3A_113 = arith.cmpi ne, %convert_element_type3A_111, %cond3A_112 : i32
        scf.if %cond3A_113 {
          %add3A_131 = arith.constant 2 : i32
          %add3A_132 = arith.addi %add3A_88, %add3A_131 : i32
          %mul3A_133 = arith.constant 600 : i32
          %mul3A_134 = arith.muli %add3A_132, %mul3A_133 : i32
          %dma_start3A_135 = tpu.memref_slice %arg2[%mul3A_134] : memref<150000xf32, #tpu.memory_space<hbm>> -> memref<600xf32, #tpu.memory_space<hbm>>
          %dma_start3A_136 = tpu.memref_slice %arg2[%mul3A_134] : memref<150000xf32, #tpu.memory_space<hbm>> -> memref<600xf32, #tpu.memory_space<hbm>>
          tpu.enqueue_dma source(%dma_start3A_136 : memref<600xf32, #tpu.memory_space<hbm>>) target(%arg7 : memref<600xf32, #tpu.memory_space<vmem>>) target_semaphore(%arg23 : memref<!tpu.dma_semaphore, #tpu.memory_space<semaphore_mem>>)
          %add3A_137 = arith.constant 2 : i32
          %add3A_138 = arith.addi %add3A_88, %add3A_137 : i32
          %mul3A_139 = arith.constant 200 : i32
          %mul3A_140 = arith.muli %add3A_138, %mul3A_139 : i32
          %dma_start3A_141 = tpu.memref_slice %arg3[%mul3A_140] : memref<50000xi32, #tpu.memory_space<hbm>> -> memref<200xi32, #tpu.memory_space<hbm>>
          %dma_start3A_142 = tpu.memref_slice %arg3[%mul3A_140] : memref<50000xi32, #tpu.memory_space<hbm>> -> memref<200xi32, #tpu.memory_space<hbm>>
          tpu.enqueue_dma source(%dma_start3A_142 : memref<200xi32, #tpu.memory_space<hbm>>) target(%arg9 : memref<200xi32, #tpu.memory_space<vmem>>) target_semaphore(%arg23 : memref<!tpu.dma_semaphore, #tpu.memory_space<semaphore_mem>>)
        } else {
        }
        %mul3A_114 = arith.constant 29400 : i32
        %mul3A_115 = arith.muli %add3A_88, %mul3A_114 : i32
        %dma_start3A = tpu.memref_slice %arg4[%mul3A_115] : memref<7350000xf32, #tpu.memory_space<hbm>> -> memref<29400xf32, #tpu.memory_space<hbm>>
        %dma_start3A_116 = tpu.memref_slice %arg4[%mul3A_115] : memref<7350000xf32, #tpu.memory_space<hbm>> -> memref<29400xf32, #tpu.memory_space<hbm>>
        tpu.enqueue_dma source(%arg11 : memref<29400xf32, #tpu.memory_space<vmem>>) target(%dma_start3A_116 : memref<29400xf32, #tpu.memory_space<hbm>>) target_semaphore(%arg25 : memref<!tpu.dma_semaphore, #tpu.memory_space<semaphore_mem>>)
        %mul3A_117 = arith.constant 9800 : i32
        %mul3A_118 = arith.muli %add3A_88, %mul3A_117 : i32
        %dma_start3A_119 = tpu.memref_slice %arg5[%mul3A_118] : memref<2450000xf32, #tpu.memory_space<hbm>> -> memref<9800xf32, #tpu.memory_space<hbm>>
        %dma_start3A_120 = tpu.memref_slice %arg5[%mul3A_118] : memref<2450000xf32, #tpu.memory_space<hbm>> -> memref<9800xf32, #tpu.memory_space<hbm>>
        tpu.enqueue_dma source(%arg13 : memref<9800xf32, #tpu.memory_space<vmem>>) target(%dma_start3A_120 : memref<9800xf32, #tpu.memory_space<hbm>>) target_semaphore(%arg25 : memref<!tpu.dma_semaphore, #tpu.memory_space<semaphore_mem>>)
        %mul3A_121 = arith.constant 9800 : i32
        %mul3A_122 = arith.muli %add3A_88, %mul3A_121 : i32
        %dma_start3A_123 = tpu.memref_slice %arg6[%mul3A_122] : memref<4900000xi32, #tpu.memory_space<hbm>> -> memref<9800xi32, #tpu.memory_space<hbm>>
        %dma_start3A_124 = tpu.memref_slice %arg6[%mul3A_122] : memref<4900000xi32, #tpu.memory_space<hbm>> -> memref<9800xi32, #tpu.memory_space<hbm>>
        tpu.enqueue_dma source(%arg15 : memref<9800xi32, #tpu.memory_space<vmem>>) target(%dma_start3A_124 : memref<9800xi32, #tpu.memory_space<hbm>>) target_semaphore(%arg25 : memref<!tpu.dma_semaphore, #tpu.memory_space<semaphore_mem>>)
        %add3A_125 = arith.constant 250 : i32
        %add3A_126 = arith.addi %add3A_125, %add3A_88 : i32
        %mul3A_127 = arith.constant 9800 : i32
        %mul3A_128 = arith.muli %add3A_126, %mul3A_127 : i32
        %dma_start3A_129 = tpu.memref_slice %arg6[%mul3A_128] : memref<4900000xi32, #tpu.memory_space<hbm>> -> memref<9800xi32, #tpu.memory_space<hbm>>
        %dma_start3A_130 = tpu.memref_slice %arg6[%mul3A_128] : memref<4900000xi32, #tpu.memory_space<hbm>> -> memref<9800xi32, #tpu.memory_space<hbm>>
        tpu.enqueue_dma source(%arg17 : memref<9800xi32, #tpu.memory_space<vmem>>) target(%dma_start3A_130 : memref<9800xi32, #tpu.memory_space<hbm>>) target_semaphore(%arg25 : memref<!tpu.dma_semaphore, #tpu.memory_space<semaphore_mem>>)
      } else {
      }
      %mul3A_79 = arith.constant 2 : i32
      %mul3A_80 = arith.muli %mul3A_79, %while3A_69 : i32
      %add3A_81 = arith.constant 1 : i32
      %add3A_82 = arith.addi %mul3A_80, %add3A_81 : i32
      %lt3A_83 = arith.cmpi slt, %add3A_82, %add3A_8 : i32
      %convert_element_type3A_84 = arith.extui %lt3A_83 : i1 to i32
      %cond3A_85 = arith.constant 0 : i32
      %cond3A_86 = arith.cmpi ne, %convert_element_type3A_84, %cond3A_85 : i32
      scf.if %cond3A_86 {
        %add3A_88 = arith.addi %add3A_4, %add3A_82 : i32
        %dma_wait3A = arith.constant 0 : i32
        %dma_wait3A_89 = tpu.memref_slice %arg2[%dma_wait3A] : memref<150000xf32, #tpu.memory_space<hbm>> -> memref<600xf32, #tpu.memory_space<hbm>>
        %dma_wait3A_90 = arith.constant 0 : i32
        %dma_wait3A_91 = tpu.memref_slice %arg2[%dma_wait3A_90] : memref<150000xf32, #tpu.memory_space<hbm>> -> memref<600xf32, #tpu.memory_space<hbm>>
        tpu.wait_dma2 semaphore(%arg24 : memref<!tpu.dma_semaphore, #tpu.memory_space<semaphore_mem>>) src(%dma_wait3A_91 : memref<600xf32, #tpu.memory_space<hbm>>) dst(%arg8 : memref<600xf32, #tpu.memory_space<vmem>>)
        %dma_wait3A_92 = arith.constant 0 : i32
        %dma_wait3A_93 = tpu.memref_slice %arg3[%dma_wait3A_92] : memref<50000xi32, #tpu.memory_space<hbm>> -> memref<200xi32, #tpu.memory_space<hbm>>
        %dma_wait3A_94 = arith.constant 0 : i32
        %dma_wait3A_95 = tpu.memref_slice %arg3[%dma_wait3A_94] : memref<50000xi32, #tpu.memory_space<hbm>> -> memref<200xi32, #tpu.memory_space<hbm>>
        tpu.wait_dma2 semaphore(%arg24 : memref<!tpu.dma_semaphore, #tpu.memory_space<semaphore_mem>>) src(%dma_wait3A_95 : memref<200xi32, #tpu.memory_space<hbm>>) dst(%arg10 : memref<200xi32, #tpu.memory_space<vmem>>)
        %gt3A_96 = arith.constant 0 : i32
        %gt3A_97 = arith.cmpi sgt, %while3A_69, %gt3A_96 : i32
        %convert_element_type3A_98 = arith.extui %gt3A_97 : i1 to i32
        %cond3A_99 = arith.constant 0 : i32
        %cond3A_100 = arith.cmpi ne, %convert_element_type3A_98, %cond3A_99 : i32
        scf.if %cond3A_100 {
          %dma_wait3A_131 = arith.constant 0 : i32
          %dma_wait3A_132 = tpu.memref_slice %arg4[%dma_wait3A_131] : memref<7350000xf32, #tpu.memory_space<hbm>> -> memref<29400xf32, #tpu.memory_space<hbm>>
          %dma_wait3A_133 = arith.constant 0 : i32
          %dma_wait3A_134 = tpu.memref_slice %arg4[%dma_wait3A_133] : memref<7350000xf32, #tpu.memory_space<hbm>> -> memref<29400xf32, #tpu.memory_space<hbm>>
          tpu.wait_dma2 semaphore(%arg26 : memref<!tpu.dma_semaphore, #tpu.memory_space<semaphore_mem>>) src(%arg12 : memref<29400xf32, #tpu.memory_space<vmem>>) dst(%dma_wait3A_134 : memref<29400xf32, #tpu.memory_space<hbm>>)
          %dma_wait3A_135 = arith.constant 0 : i32
          %dma_wait3A_136 = tpu.memref_slice %arg5[%dma_wait3A_135] : memref<2450000xf32, #tpu.memory_space<hbm>> -> memref<9800xf32, #tpu.memory_space<hbm>>
          %dma_wait3A_137 = arith.constant 0 : i32
          %dma_wait3A_138 = tpu.memref_slice %arg5[%dma_wait3A_137] : memref<2450000xf32, #tpu.memory_space<hbm>> -> memref<9800xf32, #tpu.memory_space<hbm>>
          tpu.wait_dma2 semaphore(%arg26 : memref<!tpu.dma_semaphore, #tpu.memory_space<semaphore_mem>>) src(%arg14 : memref<9800xf32, #tpu.memory_space<vmem>>) dst(%dma_wait3A_138 : memref<9800xf32, #tpu.memory_space<hbm>>)
          %dma_wait3A_139 = arith.constant 0 : i32
          %dma_wait3A_140 = tpu.memref_slice %arg6[%dma_wait3A_139] : memref<4900000xi32, #tpu.memory_space<hbm>> -> memref<9800xi32, #tpu.memory_space<hbm>>
          %dma_wait3A_141 = arith.constant 0 : i32
          %dma_wait3A_142 = tpu.memref_slice %arg6[%dma_wait3A_141] : memref<4900000xi32, #tpu.memory_space<hbm>> -> memref<9800xi32, #tpu.memory_space<hbm>>
          tpu.wait_dma2 semaphore(%arg26 : memref<!tpu.dma_semaphore, #tpu.memory_space<semaphore_mem>>) src(%arg16 : memref<9800xi32, #tpu.memory_space<vmem>>) dst(%dma_wait3A_142 : memref<9800xi32, #tpu.memory_space<hbm>>)
          %dma_wait3A_143 = arith.constant 0 : i32
          %dma_wait3A_144 = tpu.memref_slice %arg6[%dma_wait3A_143] : memref<4900000xi32, #tpu.memory_space<hbm>> -> memref<9800xi32, #tpu.memory_space<hbm>>
          %dma_wait3A_145 = arith.constant 0 : i32
          %dma_wait3A_146 = tpu.memref_slice %arg6[%dma_wait3A_145] : memref<4900000xi32, #tpu.memory_space<hbm>> -> memref<9800xi32, #tpu.memory_space<hbm>>
          tpu.wait_dma2 semaphore(%arg26 : memref<!tpu.dma_semaphore, #tpu.memory_space<semaphore_mem>>) src(%arg18 : memref<9800xi32, #tpu.memory_space<vmem>>) dst(%dma_wait3A_146 : memref<9800xi32, #tpu.memory_space<hbm>>)
        } else {
        }
        %scan3A_101 = arith.constant 0 : i32
        %scan3A_102 = arith.constant 0 : i32
        %scan3A_103 = arith.constant 4 : i32
        %scan3A_104 = arith.addi %scan3A_102, %scan3A_103 : i32
        %scan3A_105 = arith.constant 1 : i32
        %scan3A_106 = scf.for %scan3A_131 = %scan3A_102 to %scan3A_104 step %scan3A_105 iter_args(%scan3A_132 = %scan3A_101) -> (i32)  : i32 {
          %mul3A_133 = arith.constant 150 : i32
          %mul3A_134 = arith.muli %scan3A_131, %mul3A_133 : i32
          %mul3A_135 = arith.constant 2450 : i32
          %mul3A_136 = arith.muli %scan3A_131, %mul3A_135 : i32
          %mul3A_137 = arith.constant 0 : i32
          %mul3A_138 = vector.broadcast %mul3A_137 : i32 to vector<16xi32>
          %mul3A_139 = arith.muli %iota3A, %mul3A_138 : vector<16xi32>
          %mul3A_140 = arith.constant 50 : i32
          %mul3A_141 = arith.muli %scan3A_131, %mul3A_140 : i32
          %add3A_142 = vector.broadcast %mul3A_141 : i32 to vector<16xi32>
          %add3A_143 = arith.addi %mul3A_139, %add3A_142 : vector<16xi32>
          %gather3A = tpu.vector_load_idx %arg10[%add3A_143] : memref<200xi32, #tpu.memory_space<vmem>>[vector<16xi32>], vector<16xi32>,
          %mul3A_144 = arith.constant 50 : i32
          %mul3A_145 = vector.broadcast %mul3A_144 : i32 to vector<16xi32>
          %mul3A_146 = arith.muli %gather3A, %mul3A_145 : vector<16xi32>
          %parallel_loop3A = arith.constant 0 : i32
          %parallel_loop3A_147 = arith.constant 154 : i32
          %parallel_loop3A_148 = arith.constant 1 : i32
          scf.for %parallel_loop3A_150 = %parallel_loop3A to %parallel_loop3A_147 step %parallel_loop3A_148  : i32 {
            %parallel_loop3A_151 = arith.constant 16 : i32
            %parallel_loop3A_152 = arith.muli %parallel_loop3A_150, %parallel_loop3A_151 : i32
            %parallel_loop3A_153 = arith.constant 2434 : i32
            %parallel_loop3A_154 = arith.minsi %parallel_loop3A_152, %parallel_loop3A_153 : i32
            %parallel_loop3A_155 = arith.constant 16 : i32
            %parallel_loop3A_156 = arith.muli %parallel_loop3A_150, %parallel_loop3A_155 : i32
            %parallel_loop3A_157 = arith.index_cast %parallel_loop3A_156 : i32 to index
            %parallel_loop3A_158 = tpu.vector_load %arg19[%parallel_loop3A_157] {strides = array<i32>} : memref<2464xi32, #tpu.memory_space<vmem>>, vector<16xi32>,
            %parallel_loop3A_159 = arith.index_cast %parallel_loop3A_156 : i32 to index
            %parallel_loop3A_160 = tpu.vector_load %arg20[%parallel_loop3A_159] {strides = array<i32>} : memref<2464xi32, #tpu.memory_space<vmem>>, vector<16xi32>,
            %parallel_loop3A_161 = arith.index_cast %parallel_loop3A_156 : i32 to index
            %parallel_loop3A_162 = tpu.vector_load %arg21[%parallel_loop3A_161] {strides = array<i32>} : memref<2464xi32, #tpu.memory_space<vmem>>, vector<16xi32>,
            %parallel_loop3A_163 = vector.broadcast %mul3A_134 : i32 to vector<16xi32>
            %parallel_loop3A_164 = arith.addi %parallel_loop3A_162, %parallel_loop3A_163 : vector<16xi32>
            %parallel_loop3A_165 = arith.index_cast %parallel_loop3A_156 : i32 to index
            %parallel_loop3A_166 = tpu.vector_load %arg22[%parallel_loop3A_165] {strides = array<i32>} : memref<2464xi32, #tpu.memory_space<vmem>>, vector<16xi32>,
            %parallel_loop3A_167 = vector.broadcast %mul3A_134 : i32 to vector<16xi32>
            %parallel_loop3A_168 = arith.addi %parallel_loop3A_166, %parallel_loop3A_167 : vector<16xi32>
            %parallel_loop3A_169 = arith.addi %mul3A_136, %parallel_loop3A_154 : i32
            %parallel_loop3A_170 = arith.constant 3 : i32
            %parallel_loop3A_171 = arith.muli %parallel_loop3A_169, %parallel_loop3A_170 : i32
            %parallel_loop3A_172 = vector.broadcast %parallel_loop3A_171 : i32 to vector<16xi32>
            %parallel_loop3A_173 = arith.addi %parallel_loop3A_172, %mul3A_11 : vector<16xi32>
            %parallel_loop3A_174 = arith.constant 0.000000e+00 : f32
            %parallel_loop3A_175 = vector.broadcast %parallel_loop3A_174 : f32 to vector<16xf32>
            %parallel_loop3A_176 = tpu.vector_load_idx %arg8[%parallel_loop3A_164] : memref<600xf32, #tpu.memory_space<vmem>>[vector<16xi32>], vector<16xf32>,
            %parallel_loop3A_177 = tpu.vector_load_idx %arg8[%parallel_loop3A_168] : memref<600xf32, #tpu.memory_space<vmem>>[vector<16xi32>], vector<16xf32>,
            %parallel_loop3A_178 = arith.subf %parallel_loop3A_177, %parallel_loop3A_176 : vector<16xf32>
            tpu.vector_store_idx %arg12[%parallel_loop3A_173], %parallel_loop3A_178 : memref<29400xf32, #tpu.memory_space<vmem>>[vector<16xi32>], vector<16xf32>,
            %parallel_loop3A_179 = arith.mulf %parallel_loop3A_178, %parallel_loop3A_178 : vector<16xf32>
            %parallel_loop3A_180 = arith.addf %parallel_loop3A_175, %parallel_loop3A_179 : vector<16xf32>
            %parallel_loop3A_181 = arith.constant 1 : i32
            %parallel_loop3A_182 = vector.broadcast %parallel_loop3A_181 : i32 to vector<16xi32>
            %parallel_loop3A_183 = arith.addi %parallel_loop3A_164, %parallel_loop3A_182 : vector<16xi32>
            %parallel_loop3A_184 = tpu.vector_load_idx %arg8[%parallel_loop3A_183] : memref<600xf32, #tpu.memory_space<vmem>>[vector<16xi32>], vector<16xf32>,
            %parallel_loop3A_185 = arith.constant 1 : i32
            %parallel_loop3A_186 = vector.broadcast %parallel_loop3A_185 : i32 to vector<16xi32>
            %parallel_loop3A_187 = arith.addi %parallel_loop3A_168, %parallel_loop3A_186 : vector<16xi32>
            %parallel_loop3A_188 = tpu.vector_load_idx %arg8[%parallel_loop3A_187] : memref<600xf32, #tpu.memory_space<vmem>>[vector<16xi32>], vector<16xf32>,
            %parallel_loop3A_189 = arith.subf %parallel_loop3A_188, %parallel_loop3A_184 : vector<16xf32>
            %parallel_loop3A_190 = arith.constant 1 : i32
            %parallel_loop3A_191 = vector.broadcast %parallel_loop3A_190 : i32 to vector<16xi32>
            %parallel_loop3A_192 = arith.addi %parallel_loop3A_173, %parallel_loop3A_191 : vector<16xi32>
            tpu.vector_store_idx %arg12[%parallel_loop3A_192], %parallel_loop3A_189 : memref<29400xf32, #tpu.memory_space<vmem>>[vector<16xi32>], vector<16xf32>,
            %parallel_loop3A_193 = arith.mulf %parallel_loop3A_189, %parallel_loop3A_189 : vector<16xf32>
            %parallel_loop3A_194 = arith.addf %parallel_loop3A_180, %parallel_loop3A_193 : vector<16xf32>
            %parallel_loop3A_195 = arith.constant 2 : i32
            %parallel_loop3A_196 = vector.broadcast %parallel_loop3A_195 : i32 to vector<16xi32>
            %parallel_loop3A_197 = arith.addi %parallel_loop3A_164, %parallel_loop3A_196 : vector<16xi32>
            %parallel_loop3A_198 = tpu.vector_load_idx %arg8[%parallel_loop3A_197] : memref<600xf32, #tpu.memory_space<vmem>>[vector<16xi32>], vector<16xf32>,
            %parallel_loop3A_199 = arith.constant 2 : i32
            %parallel_loop3A_200 = vector.broadcast %parallel_loop3A_199 : i32 to vector<16xi32>
            %parallel_loop3A_201 = arith.addi %parallel_loop3A_168, %parallel_loop3A_200 : vector<16xi32>
            %parallel_loop3A_202 = tpu.vector_load_idx %arg8[%parallel_loop3A_201] : memref<600xf32, #tpu.memory_space<vmem>>[vector<16xi32>], vector<16xf32>,
            %parallel_loop3A_203 = arith.subf %parallel_loop3A_202, %parallel_loop3A_198 : vector<16xf32>
            %parallel_loop3A_204 = arith.constant 2 : i32
            %parallel_loop3A_205 = vector.broadcast %parallel_loop3A_204 : i32 to vector<16xi32>
            %parallel_loop3A_206 = arith.addi %parallel_loop3A_173, %parallel_loop3A_205 : vector<16xi32>
            tpu.vector_store_idx %arg12[%parallel_loop3A_206], %parallel_loop3A_203 : memref<29400xf32, #tpu.memory_space<vmem>>[vector<16xi32>], vector<16xf32>,
            %parallel_loop3A_207 = arith.mulf %parallel_loop3A_203, %parallel_loop3A_203 : vector<16xf32>
            %parallel_loop3A_208 = arith.addf %parallel_loop3A_194, %parallel_loop3A_207 : vector<16xf32>
            %parallel_loop3A_209 = vector.bitcast %parallel_loop3A_208 : vector<16xf32> to vector<16xi32>
            %parallel_loop3A_210 = arith.constant 1 : i32
            %parallel_loop3A_211 = vector.broadcast %parallel_loop3A_210 : i32 to vector<16xi32>
            %parallel_loop3A_212 = arith.shrsi %parallel_loop3A_209, %parallel_loop3A_211 : vector<16xi32>
            %parallel_loop3A_213 = arith.subi %broadcast_in_dim3A_14, %parallel_loop3A_212 : vector<16xi32>
            %parallel_loop3A_214 = vector.bitcast %parallel_loop3A_213 : vector<16xi32> to vector<16xf32>
            %parallel_loop3A_215 = arith.constant 5.000000e-01 : f32
            %parallel_loop3A_216 = vector.broadcast %parallel_loop3A_215 : f32 to vector<16xf32>
            %parallel_loop3A_217 = arith.mulf %parallel_loop3A_208, %parallel_loop3A_216 : vector<16xf32>
            %parallel_loop3A_218 = arith.mulf %parallel_loop3A_217, %parallel_loop3A_214 : vector<16xf32>
            %parallel_loop3A_219 = arith.mulf %parallel_loop3A_218, %parallel_loop3A_214 : vector<16xf32>
            %parallel_loop3A_220 = arith.subf %broadcast_in_dim3A_12, %parallel_loop3A_219 : vector<16xf32>
            %parallel_loop3A_221 = arith.mulf %parallel_loop3A_214, %parallel_loop3A_220 : vector<16xf32>
            %parallel_loop3A_222 = arith.mulf %parallel_loop3A_217, %parallel_loop3A_221 : vector<16xf32>
            %parallel_loop3A_223 = arith.mulf %parallel_loop3A_222, %parallel_loop3A_221 : vector<16xf32>
            %parallel_loop3A_224 = arith.subf %broadcast_in_dim3A_12, %parallel_loop3A_223 : vector<16xf32>
            %parallel_loop3A_225 = arith.mulf %parallel_loop3A_221, %parallel_loop3A_224 : vector<16xf32>
            %parallel_loop3A_226 = arith.mulf %parallel_loop3A_208, %parallel_loop3A_225 : vector<16xf32>
            %parallel_loop3A_227 = arith.addi %mul3A_136, %parallel_loop3A_154 : i32
            %parallel_loop3A_228 = arith.index_cast %parallel_loop3A_227 : i32 to index
            %parallel_loop3A_229 = tpu.vector_load %arg14[%parallel_loop3A_228] {strides = array<i32>} : memref<9800xf32, #tpu.memory_space<vmem>>, vector<16xf32>,
            tpu.vector_store %arg14[%parallel_loop3A_228], %parallel_loop3A_226 {strides = array<i32>} : memref<9800xf32, #tpu.memory_space<vmem>>, vector<16xf32>,
            %parallel_loop3A_230 = arith.addi %mul3A_146, %parallel_loop3A_158 : vector<16xi32>
            %parallel_loop3A_231 = arith.addi %mul3A_136, %parallel_loop3A_154 : i32
            %parallel_loop3A_232 = arith.index_cast %parallel_loop3A_231 : i32 to index
            %parallel_loop3A_233 = tpu.vector_load %arg16[%parallel_loop3A_232] {strides = array<i32>} : memref<9800xi32, #tpu.memory_space<vmem>>, vector<16xi32>,
            tpu.vector_store %arg16[%parallel_loop3A_232], %parallel_loop3A_230 {strides = array<i32>} : memref<9800xi32, #tpu.memory_space<vmem>>, vector<16xi32>,
            %parallel_loop3A_234 = arith.addi %mul3A_146, %parallel_loop3A_160 : vector<16xi32>
            %parallel_loop3A_235 = arith.addi %mul3A_136, %parallel_loop3A_154 : i32
            %parallel_loop3A_236 = arith.index_cast %parallel_loop3A_235 : i32 to index
            %parallel_loop3A_237 = tpu.vector_load %arg18[%parallel_loop3A_236] {strides = array<i32>} : memref<9800xi32, #tpu.memory_space<vmem>>, vector<16xi32>,
            tpu.vector_store %arg18[%parallel_loop3A_236], %parallel_loop3A_234 {strides = array<i32>} : memref<9800xi32, #tpu.memory_space<vmem>>, vector<16xi32>,
          } {sc.loop_unroll_factor = 2 : i64, sc.parallel_access}
          %scan3A_149 = arith.constant 0 : i32
          scf.yield %scan3A_149 : i32
        }
        %scan3A_107 = arith.constant 4 : i32
        %add3A_108 = arith.constant 2 : i32
        %add3A_109 = arith.addi %add3A_82, %add3A_108 : i32
        %lt3A_110 = arith.cmpi slt, %add3A_109, %add3A_8 : i32
        %convert_element_type3A_111 = arith.extui %lt3A_110 : i1 to i32
        %cond3A_112 = arith.constant 0 : i32
        %cond3A_113 = arith.cmpi ne, %convert_element_type3A_111, %cond3A_112 : i32
        scf.if %cond3A_113 {
          %add3A_131 = arith.constant 2 : i32
          %add3A_132 = arith.addi %add3A_88, %add3A_131 : i32
          %mul3A_133 = arith.constant 600 : i32
          %mul3A_134 = arith.muli %add3A_132, %mul3A_133 : i32
          %dma_start3A_135 = tpu.memref_slice %arg2[%mul3A_134] : memref<150000xf32, #tpu.memory_space<hbm>> -> memref<600xf32, #tpu.memory_space<hbm>>
          %dma_start3A_136 = tpu.memref_slice %arg2[%mul3A_134] : memref<150000xf32, #tpu.memory_space<hbm>> -> memref<600xf32, #tpu.memory_space<hbm>>
          tpu.enqueue_dma source(%dma_start3A_136 : memref<600xf32, #tpu.memory_space<hbm>>) target(%arg8 : memref<600xf32, #tpu.memory_space<vmem>>) target_semaphore(%arg24 : memref<!tpu.dma_semaphore, #tpu.memory_space<semaphore_mem>>)
          %add3A_137 = arith.constant 2 : i32
          %add3A_138 = arith.addi %add3A_88, %add3A_137 : i32
          %mul3A_139 = arith.constant 200 : i32
          %mul3A_140 = arith.muli %add3A_138, %mul3A_139 : i32
          %dma_start3A_141 = tpu.memref_slice %arg3[%mul3A_140] : memref<50000xi32, #tpu.memory_space<hbm>> -> memref<200xi32, #tpu.memory_space<hbm>>
          %dma_start3A_142 = tpu.memref_slice %arg3[%mul3A_140] : memref<50000xi32, #tpu.memory_space<hbm>> -> memref<200xi32, #tpu.memory_space<hbm>>
          tpu.enqueue_dma source(%dma_start3A_142 : memref<200xi32, #tpu.memory_space<hbm>>) target(%arg10 : memref<200xi32, #tpu.memory_space<vmem>>) target_semaphore(%arg24 : memref<!tpu.dma_semaphore, #tpu.memory_space<semaphore_mem>>)
        } else {
        }
        %mul3A_114 = arith.constant 29400 : i32
        %mul3A_115 = arith.muli %add3A_88, %mul3A_114 : i32
        %dma_start3A = tpu.memref_slice %arg4[%mul3A_115] : memref<7350000xf32, #tpu.memory_space<hbm>> -> memref<29400xf32, #tpu.memory_space<hbm>>
        %dma_start3A_116 = tpu.memref_slice %arg4[%mul3A_115] : memref<7350000xf32, #tpu.memory_space<hbm>> -> memref<29400xf32, #tpu.memory_space<hbm>>
        tpu.enqueue_dma source(%arg12 : memref<29400xf32, #tpu.memory_space<vmem>>) target(%dma_start3A_116 : memref<29400xf32, #tpu.memory_space<hbm>>) target_semaphore(%arg26 : memref<!tpu.dma_semaphore, #tpu.memory_space<semaphore_mem>>)
        %mul3A_117 = arith.constant 9800 : i32
        %mul3A_118 = arith.muli %add3A_88, %mul3A_117 : i32
        %dma_start3A_119 = tpu.memref_slice %arg5[%mul3A_118] : memref<2450000xf32, #tpu.memory_space<hbm>> -> memref<9800xf32, #tpu.memory_space<hbm>>
        %dma_start3A_120 = tpu.memref_slice %arg5[%mul3A_118] : memref<2450000xf32, #tpu.memory_space<hbm>> -> memref<9800xf32, #tpu.memory_space<hbm>>
        tpu.enqueue_dma source(%arg14 : memref<9800xf32, #tpu.memory_space<vmem>>) target(%dma_start3A_120 : memref<9800xf32, #tpu.memory_space<hbm>>) target_semaphore(%arg26 : memref<!tpu.dma_semaphore, #tpu.memory_space<semaphore_mem>>)
        %mul3A_121 = arith.constant 9800 : i32
        %mul3A_122 = arith.muli %add3A_88, %mul3A_121 : i32
        %dma_start3A_123 = tpu.memref_slice %arg6[%mul3A_122] : memref<4900000xi32, #tpu.memory_space<hbm>> -> memref<9800xi32, #tpu.memory_space<hbm>>
        %dma_start3A_124 = tpu.memref_slice %arg6[%mul3A_122] : memref<4900000xi32, #tpu.memory_space<hbm>> -> memref<9800xi32, #tpu.memory_space<hbm>>
        tpu.enqueue_dma source(%arg16 : memref<9800xi32, #tpu.memory_space<vmem>>) target(%dma_start3A_124 : memref<9800xi32, #tpu.memory_space<hbm>>) target_semaphore(%arg26 : memref<!tpu.dma_semaphore, #tpu.memory_space<semaphore_mem>>)
        %add3A_125 = arith.constant 250 : i32
        %add3A_126 = arith.addi %add3A_125, %add3A_88 : i32
        %mul3A_127 = arith.constant 9800 : i32
        %mul3A_128 = arith.muli %add3A_126, %mul3A_127 : i32
        %dma_start3A_129 = tpu.memref_slice %arg6[%mul3A_128] : memref<4900000xi32, #tpu.memory_space<hbm>> -> memref<9800xi32, #tpu.memory_space<hbm>>
        %dma_start3A_130 = tpu.memref_slice %arg6[%mul3A_128] : memref<4900000xi32, #tpu.memory_space<hbm>> -> memref<9800xi32, #tpu.memory_space<hbm>>
        tpu.enqueue_dma source(%arg18 : memref<9800xi32, #tpu.memory_space<vmem>>) target(%dma_start3A_130 : memref<9800xi32, #tpu.memory_space<hbm>>) target_semaphore(%arg26 : memref<!tpu.dma_semaphore, #tpu.memory_space<semaphore_mem>>)
      } else {
      }
      %while3A_87 = arith.constant 0 : i32
      scf.yield %while3A_87 : i32
    }
    %gt3A_59 = arith.constant 0 : i32
    %gt3A_60 = arith.cmpi sgt, %add3A_8, %gt3A_59 : i32
    %convert_element_type3A_61 = arith.extui %gt3A_60 : i1 to i32
    %cond3A_62 = arith.constant 0 : i32
    %cond3A_63 = arith.cmpi ne, %convert_element_type3A_61, %cond3A_62 : i32
    scf.if %cond3A_63 {
      %dma_wait3A = arith.constant 0 : i32
      %dma_wait3A_69 = tpu.memref_slice %arg4[%dma_wait3A] : memref<7350000xf32, #tpu.memory_space<hbm>> -> memref<29400xf32, #tpu.memory_space<hbm>>
      %dma_wait3A_70 = arith.constant 0 : i32
      %dma_wait3A_71 = tpu.memref_slice %arg4[%dma_wait3A_70] : memref<7350000xf32, #tpu.memory_space<hbm>> -> memref<29400xf32, #tpu.memory_space<hbm>>
      tpu.wait_dma2 semaphore(%arg25 : memref<!tpu.dma_semaphore, #tpu.memory_space<semaphore_mem>>) src(%arg11 : memref<29400xf32, #tpu.memory_space<vmem>>) dst(%dma_wait3A_71 : memref<29400xf32, #tpu.memory_space<hbm>>)
      %dma_wait3A_72 = arith.constant 0 : i32
      %dma_wait3A_73 = tpu.memref_slice %arg5[%dma_wait3A_72] : memref<2450000xf32, #tpu.memory_space<hbm>> -> memref<9800xf32, #tpu.memory_space<hbm>>
      %dma_wait3A_74 = arith.constant 0 : i32
      %dma_wait3A_75 = tpu.memref_slice %arg5[%dma_wait3A_74] : memref<2450000xf32, #tpu.memory_space<hbm>> -> memref<9800xf32, #tpu.memory_space<hbm>>
      tpu.wait_dma2 semaphore(%arg25 : memref<!tpu.dma_semaphore, #tpu.memory_space<semaphore_mem>>) src(%arg13 : memref<9800xf32, #tpu.memory_space<vmem>>) dst(%dma_wait3A_75 : memref<9800xf32, #tpu.memory_space<hbm>>)
      %dma_wait3A_76 = arith.constant 0 : i32
      %dma_wait3A_77 = tpu.memref_slice %arg6[%dma_wait3A_76] : memref<4900000xi32, #tpu.memory_space<hbm>> -> memref<9800xi32, #tpu.memory_space<hbm>>
      %dma_wait3A_78 = arith.constant 0 : i32
      %dma_wait3A_79 = tpu.memref_slice %arg6[%dma_wait3A_78] : memref<4900000xi32, #tpu.memory_space<hbm>> -> memref<9800xi32, #tpu.memory_space<hbm>>
      tpu.wait_dma2 semaphore(%arg25 : memref<!tpu.dma_semaphore, #tpu.memory_space<semaphore_mem>>) src(%arg15 : memref<9800xi32, #tpu.memory_space<vmem>>) dst(%dma_wait3A_79 : memref<9800xi32, #tpu.memory_space<hbm>>)
      %dma_wait3A_80 = arith.constant 0 : i32
      %dma_wait3A_81 = tpu.memref_slice %arg6[%dma_wait3A_80] : memref<4900000xi32, #tpu.memory_space<hbm>> -> memref<9800xi32, #tpu.memory_space<hbm>>
      %dma_wait3A_82 = arith.constant 0 : i32
      %dma_wait3A_83 = tpu.memref_slice %arg6[%dma_wait3A_82] : memref<4900000xi32, #tpu.memory_space<hbm>> -> memref<9800xi32, #tpu.memory_space<hbm>>
      tpu.wait_dma2 semaphore(%arg25 : memref<!tpu.dma_semaphore, #tpu.memory_space<semaphore_mem>>) src(%arg17 : memref<9800xi32, #tpu.memory_space<vmem>>) dst(%dma_wait3A_83 : memref<9800xi32, #tpu.memory_space<hbm>>)
    } else {
    }
    %gt3A_64 = arith.constant 1 : i32
    %gt3A_65 = arith.cmpi sgt, %add3A_8, %gt3A_64 : i32
    %convert_element_type3A_66 = arith.extui %gt3A_65 : i1 to i32
    %cond3A_67 = arith.constant 0 : i32
    %cond3A_68 = arith.cmpi ne, %convert_element_type3A_66, %cond3A_67 : i32
    scf.if %cond3A_68 {
      %dma_wait3A = arith.constant 0 : i32
      %dma_wait3A_69 = tpu.memref_slice %arg4[%dma_wait3A] : memref<7350000xf32, #tpu.memory_space<hbm>> -> memref<29400xf32, #tpu.memory_space<hbm>>
      %dma_wait3A_70 = arith.constant 0 : i32
      %dma_wait3A_71 = tpu.memref_slice %arg4[%dma_wait3A_70] : memref<7350000xf32, #tpu.memory_space<hbm>> -> memref<29400xf32, #tpu.memory_space<hbm>>
      tpu.wait_dma2 semaphore(%arg26 : memref<!tpu.dma_semaphore, #tpu.memory_space<semaphore_mem>>) src(%arg12 : memref<29400xf32, #tpu.memory_space<vmem>>) dst(%dma_wait3A_71 : memref<29400xf32, #tpu.memory_space<hbm>>)
      %dma_wait3A_72 = arith.constant 0 : i32
      %dma_wait3A_73 = tpu.memref_slice %arg5[%dma_wait3A_72] : memref<2450000xf32, #tpu.memory_space<hbm>> -> memref<9800xf32, #tpu.memory_space<hbm>>
      %dma_wait3A_74 = arith.constant 0 : i32
      %dma_wait3A_75 = tpu.memref_slice %arg5[%dma_wait3A_74] : memref<2450000xf32, #tpu.memory_space<hbm>> -> memref<9800xf32, #tpu.memory_space<hbm>>
      tpu.wait_dma2 semaphore(%arg26 : memref<!tpu.dma_semaphore, #tpu.memory_space<semaphore_mem>>) src(%arg14 : memref<9800xf32, #tpu.memory_space<vmem>>) dst(%dma_wait3A_75 : memref<9800xf32, #tpu.memory_space<hbm>>)
      %dma_wait3A_76 = arith.constant 0 : i32
      %dma_wait3A_77 = tpu.memref_slice %arg6[%dma_wait3A_76] : memref<4900000xi32, #tpu.memory_space<hbm>> -> memref<9800xi32, #tpu.memory_space<hbm>>
      %dma_wait3A_78 = arith.constant 0 : i32
      %dma_wait3A_79 = tpu.memref_slice %arg6[%dma_wait3A_78] : memref<4900000xi32, #tpu.memory_space<hbm>> -> memref<9800xi32, #tpu.memory_space<hbm>>
      tpu.wait_dma2 semaphore(%arg26 : memref<!tpu.dma_semaphore, #tpu.memory_space<semaphore_mem>>) src(%arg16 : memref<9800xi32, #tpu.memory_space<vmem>>) dst(%dma_wait3A_79 : memref<9800xi32, #tpu.memory_space<hbm>>)
      %dma_wait3A_80 = arith.constant 0 : i32
      %dma_wait3A_81 = tpu.memref_slice %arg6[%dma_wait3A_80] : memref<4900000xi32, #tpu.memory_space<hbm>> -> memref<9800xi32, #tpu.memory_space<hbm>>
      %dma_wait3A_82 = arith.constant 0 : i32
      %dma_wait3A_83 = tpu.memref_slice %arg6[%dma_wait3A_82] : memref<4900000xi32, #tpu.memory_space<hbm>> -> memref<9800xi32, #tpu.memory_space<hbm>>
      tpu.wait_dma2 semaphore(%arg26 : memref<!tpu.dma_semaphore, #tpu.memory_space<semaphore_mem>>) src(%arg18 : memref<9800xi32, #tpu.memory_space<vmem>>) dst(%dma_wait3A_83 : memref<9800xi32, #tpu.memory_space<hbm>>)
    } else {
    }
    return
  }
}

</mosaic_0001>

<sc_bundles>
// kernel: kernel.3.cloned.1.call-start
scs
__scs_entry_jumppad:
0x0: {  	(pc) =	sbr.rel $0x88, $3  }
0x1: {  	(tag) =	ssettag $0x0;
	lr =	simm.s32 $0x1  }
0x2: {  	[smem:$0x3F9F] =	sst lr;
	_ =	strace $0xD0000000  }
0x3: {  	_ = 	snop  }
0x4: {  	_ = 	snop  }
0x5: {  	_ = 	snop  }
0x6: {  	_ = 	snop  }
0x7: {  	_ = 	snop  }
__scs_overlays_trampoline_lowered:
0x8: {  	[smem:$0x3FAE] =	sst s0  }
0x9: {  	[smem:$0x3FAF] =	sst s1  }
0xa: {  	[smem:$0x3FB0] =	sst s2  }
0xb: {  	[smem:$0x3FB1] =	sst s3  }
0xc: {  	[smem:$0x3FB2] =	sst s4  }
0xd: {  	[smem:$0x3FB3] =	sst s5  }
0xe: {  	[smem:$0x3FB4] =	sst s6  }
0xf: {  	[smem:$0x3FB5] =	sst s7  }
0x10: {  	[smem:$0x3FB6] =	sst s8  }
0x11: {  	[smem:$0x3FB7] =	sst s9;
	s0 =	simm.s32 @!p0 $0x0  }
0x12: {  	s1 =	sld [smem:$0x3F9D];
	s0 =	simm.s32 @p0 $0x1  }
0x13: {  	[smem:$0x3FB8] =	sst s0;
	s0 =	simm.s32 @!p1 $0x0  }
0x14: {  	s2 =	sld [smem:$0x3F9C];
	s0 =	simm.s32 @p1 $0x1  }
0x15: {  	[smem:$0x3FB9] =	sst s0;
	s0 =	simm.s32 @!p2 $0x0  }
0x16: {  	s3 =	sld [smem:$0x3FDB];
	s0 =	simm.s32 @p2 $0x1  }
0x17: {  	s4 =	simm.s32 $0x1BF5;
	[smem:$0x3FBB] =	sst s0  }
0x18: {  	s0 =	sld [smem:$0x3F9E];
	_ =	swait.ge [sflag:s4], $0x0  }
0x19: {  	s7 =	sld [smem:$0x3F9F]  }
0x1a: {  	s8 =	sadd.s32 $0xFFFFE003, lr  }
0x1b: {  	s9 =	sadd.s32 $0xFFFFFEF7, lr;
	s5 =	simm.s32 $0xFFFFFFFF;
	p2 =	slt.u32 s8, $0xFFFFF086  }
0x1c: {  	p1 =	slt.u32 s9, $0xF7A;
	s5 =	simm.s32 @!p2 $0x0  }
0x1d: {  	s5 =	simm.s32 @p1 $0x1;
	p0 =	seq.s32 s7, s2  }
0x1e: {  	s7 =	smul.u32 @!p0 $0xF7A, s2;
	p2 =	seq.s32 @!p0 s5, $0x0  }
0x1f: {  	s9 =	smul.u32 $0xF7A, s1;
	s8 =	simm.s32 @!p0 $0x1BF5;
	p2 =	por !p2, p0  }
0x20: {  	[sflag:s8] =	ssyncset.s32 @!p0 $0xFFFFF086;
	s6 =	sadd.s32 @!p0 s3, s7;
	s7 =	simm.s32 @!p0 $0x108  }
0x21: {  	s3 =	sadd.s32 s3, s9;
	s6 =	sadd.s32 @!p0 $0x88, s6;
	s7 =	simm.s32 @p2 $0x1082  }
0x22: {  	[simem:s7], [sflag:s8] =	dma.local @!p0 [hbm:s6], $0xF7A  }
0x23: {  	s9 =	sor.u32 $0xD0000000, s2;
	s6 =	simm.s32 $0x108;
	_ =	swait.ge @!p0 [sflag:s8], $0x0  }
0x24: {  	s3 =	sadd.s32 $0x88, s3;
	s6 =	simm.s32 @!p1 $0x1082;
	[sflag:s4] =	ssyncset.s32 $0xFFFFF086  }
0x25: {  	[simem:s6], [sflag:s4] =	dma.local [hbm:s3], $0xF7A  }
0x26: {  	[smem:$0x3F9F] =	sst s1;
	(tag) =	ssettag s2;
	_ =	strace s9  }
0x27: {  	s1 =	sld [smem:$0x3FAF]  }
0x28: {  	s2 =	sld [smem:$0x3FB0]  }
0x29: {  	s4 =	sld [smem:$0x3FB2]  }
0x2a: {  	p0 =	seq.s32 s5, $0x0;
	s5 =	sld [smem:$0x3FB3]  }
0x2b: {  	s6 =	sld [smem:$0x3FB4]  }
0x2c: {  	s7 =	sld [smem:$0x3FB5]  }
0x2d: {  	s3 =	simm.s32 $0x108;
	s8 =	sld [smem:$0x3FB6]  }
0x2e: {  	s3 =	simm.s32 @!p0 $0x1082;
	s9 =	sld [smem:$0x3FB7]  }
0x2f: {  	lr =	sadd.s32 s0, s3;
	s0 =	sld [smem:$0x3FAE]  }
0x30: {  	s3 =	sld [smem:$0x3FB1]  }
0x31: {  	[smem:$0x3FBA] =	sst s10  }
0x32: {  	s10 =	sld [smem:$0x3FB8];
	_ =	sdelay $0x3  }
0x33: {  	p0 =	seq.s32 s10, $0x1;
	s10 =	sld [smem:$0x3FBA];
	_ =	sdelay $0x3  }
0x34: {  	[smem:$0x3FBA] =	sst s10  }
0x35: {  	s10 =	sld [smem:$0x3FB9];
	_ =	sdelay $0x3  }
0x36: {  	p1 =	seq.s32 s10, $0x1;
	s10 =	sld [smem:$0x3FBA];
	_ =	sdelay $0x3  }
0x37: {  	[smem:$0x3FBA] =	sst s10  }
0x38: {  	s10 =	sld [smem:$0x3FBB]  }
0x39: {  	_ = 	snop;
	(pc) =	sbr.ind lr, $3  }
0x3a: {  	_ = 	snop  }
0x3b: {  	_ = 	snop  }
0x3c: {  	p2 =	seq.s32 s10, $0x1;
	s10 =	sld [smem:$0x3FBA]  }
0x3d: {  	_ =	shalt  }
0x3e: {  	_ =	shalt  }
0x3f: {  	_ =	shalt  }
0x40: {  	_ =	shalt  }
0x41: {  	_ =	shalt  }
0x42: {  	_ =	shalt  }
0x43: {  	_ =	shalt  }
0x44: {  	_ =	shalt  }
0x45: {  	_ =	shalt  }
0x46: {  	_ =	shalt  }
0x47: {  	_ =	shalt  }
0x48: {  	_ =	shalt  }
0x49: {  	_ =	shalt  }
0x4a: {  	_ =	shalt  }
0x4b: {  	_ =	shalt  }
0x4c: {  	_ =	shalt  }
0x4d: {  	_ =	shalt  }
0x4e: {  	_ =	shalt  }
0x4f: {  	_ =	shalt  }
0x50: {  	_ =	shalt  }
0x51: {  	_ =	shalt  }
0x52: {  	_ =	shalt  }
0x53: {  	_ =	shalt  }
0x54: {  	_ =	shalt  }
0x55: {  	_ =	shalt  }
0x56: {  	_ =	shalt  }
0x57: {  	_ =	shalt  }
0x58: {  	_ =	shalt  }
0x59: {  	_ =	shalt  }
0x5a: {  	_ =	shalt  }
0x5b: {  	_ =	shalt  }
0x5c: {  	_ =	shalt  }
0x5d: {  	_ =	shalt  }
0x5e: {  	_ =	shalt  }
0x5f: {  	_ =	shalt  }
0x60: {  	_ =	shalt  }
0x61: {  	_ =	shalt  }
0x62: {  	_ =	shalt  }
0x63: {  	_ =	shalt  }
0x64: {  	_ =	shalt  }
0x65: {  	_ =	shalt  }
0x66: {  	_ =	shalt  }
0x67: {  	_ =	shalt  }
0x68: {  	_ =	shalt  }
0x69: {  	_ =	shalt  }
0x6a: {  	_ =	shalt  }
0x6b: {  	_ =	shalt  }
0x6c: {  	_ =	shalt  }
0x6d: {  	_ =	shalt  }
0x6e: {  	_ =	shalt  }
0x6f: {  	_ =	shalt  }
0x70: {  	_ =	shalt  }
0x71: {  	_ =	shalt  }
0x72: {  	_ =	shalt  }
0x73: {  	_ =	shalt  }
0x74: {  	_ =	shalt  }
0x75: {  	_ =	shalt  }
0x76: {  	_ =	shalt  }
0x77: {  	_ =	shalt  }
0x78: {  	_ =	shalt  }
0x79: {  	_ =	shalt  }
0x7a: {  	_ =	shalt  }
0x7b: {  	_ =	shalt  }
0x7c: {  	_ =	shalt  }
0x7d: {  	_ =	shalt  }
0x7e: {  	_ =	shalt  }
0x7f: {  	_ =	shalt  }
0x80: {  	_ =	shalt  }
0x81: {  	_ =	shalt  }
0x82: {  	_ =	shalt  }
0x83: {  	_ =	shalt  }
0x84: {  	_ =	shalt  }
0x85: {  	_ =	shalt  }
0x86: {  	_ =	shalt  }
0x87: {  	_ =	shalt  }
.Lfunc_end0:
.L_simem_size_0:
called_computation_lowered:
.L_overlay_start_0:
0x88: {  	s2 =	sld [smem:$0x3FD9]  }
0x89: {  	s3 =	sld [smem:$0x3FFE];
	_ =	sdelay $0x1  }
0x8a: {  	s1 =	srdreg.scid  }
0x8b: {  	s0 =	sand.u32 $0x1, s1  }
0x8c: {  	s14 =	sshll.u32 s0, $0xA;
	s2 =	sadd.s32 s3, s2  }
0x8d: {  	s2 =	sadd.s32 s2, s14  }
0x8e: {  	[smem:$0x3FC6] =	sst s2  }
0x8f: {  	_ = 	snop  }
0x90: {  	s2 =	sld [smem:$0x3FD0];
	_ =	sdelay $0x2  }
0x91: {  	s4 =	simm.s32 $0xA;
	s5 =	simm.s32 $0x10;
	s15 =	sld [smem:$0x3FC8]  }
0x92: {  	[smem:s5], [sflag:s4] =	dma.local [hbm:s2], $0x1  }
0x93: {  	_ =	swait.eq [sflag:s4], $0x1  }
0x94: {  	[sflag:s4] =	ssyncset.done $0x0  }
0x95: {  	s16 =	sld [smem:$0x11];
	[sflag:s4] =	ssyncadd.s32 $0xFFFFFFFF  }
0x96: {  	s17 =	sld [smem:$0x12];
	(tm) =	ssettm $0x1  }
0x97: {  	s18 =	sld [smem:$0x3FFB];
	_ =	sdelay $0x3  }
0x98: {  	_ =	strace s18  }
0x99: {  	s5 =	sld [smem:$0x3FFC];
	_ =	sdelay $0x3  }
0x9a: {  	_ =	strace s5  }
0x9b: {  	s5 =	sld [smem:$0x3FFD];
	_ =	sdelay $0x3  }
0x9c: {  	_ =	strace s5  }
0x9d: {  	_ =	strace $0x8FFFFFFF  }
0x9e: {  	s19 =	sld [smem:$0x3FDB];
	_ =	sdelay $0x1  }
0x9f: {  	s6 =	simm.s32 $_scs_section_size  }
0xa0: {  	s7 =	simm.s32 $_size__tile_overlayer_lowered;
	s8 =	simm.s32 $_tile_overlayer_lowered  }
0xa1: {  	s22 =	simm.s32 $0x1BFF;
	s21 =	sshll.u32 s8, $0x1;
	s5 =	sadd.s32 s6, s19  }
0xa2: {  	s9 =	simm.s32 $0x0;
	s20 =	sshll.u32 s7, $0x1;
	s7 =	sadd.s32 s21, s5  }
0xa3: {  	[timem:s9], [sflag:s22] =	dma.local [hbm:s7], s20  }
0xa4: {  	_ =	swait.ge [sflag:s22], s20  }
0xa5: {  	s6 =	ssub.s32 $0x0, s20;
	[sflag:s22] =	ssyncset.done $0x0  }
0xa6: {  	[sflag:s22] =	ssyncadd.s32 s6;
	_ =	sdelay $0x1  }
0xa7: {  	s23 =	simm.s32 $0x1B8B  }
0xa8: {  	_ =	swait.ge [sflag:s23], $0x1  }
0xa9: {  	[sflag:s23] =	ssyncset.done $0x0  }
0xaa: {  	s25 =	simm.s32 $0x1B8E;
	s24 =	sld [smem:$0x3FFE];
	[sflag:s23] =	ssyncadd.s32 $0xFFFFFFFF  }
0xab: {  	s26 =	simm.s32 $execute0_lowered;
	[smem:$0x3FD2] =	sst s25  }
0xac: {  	s7 =	sshll.u32 s26, $0x1;
	_ =	strace $0x80000046;
	[dreg:$0x1] =	wrdreg $0xFFFFFFFF  }
0xad: {  	s28 =	simm.s32 $_size_execute0_lowered;
	s5 =	sadd.s32 s5, s7;
	[dreg:$0x0] =	wrdreg $0x0  }
0xae: {  	s7 =	sshll.u32 s28, $0x1;
	[dreg:$0x2] =	wrdreg s5  }
0xaf: {  	[dreg:$0x3] =	wrdreg s7  }
0xb0: {  	[dreg:$0x4] =	wrdreg $0xC0  }
0xb1: {  	_ =	task [dreg:s9], $0x5FFFF  }
0xb2: {  	[dreg:$0x1] =	wrdreg $0xFFFFFFFF  }
0xb3: {  	[dreg:$0x0] =	wrdreg $0x60  }
0xb4: {  	[dreg:$0x2] =	wrdreg s16  }
0xb5: {  	[dreg:$0x3] =	wrdreg s15  }
0xb6: {  	[dreg:$0x4] =	wrdreg s17  }
0xb7: {  	[dreg:$0x5] =	wrdreg s24  }
0xb8: {  	[dreg:$0x6] =	wrdreg $0x9  }
0xb9: {  	_ =	task.clear_ibuf [dreg:s9], $0x7FFFF;
	_ =	strace $0x90000046  }
0xba: {  	s29 =	simm.s32 $0x9;
	_ =	strace $0x80000048  }
0xbb: {  	_ =	swait.ge [sflag:s29], $0x1  }
0xbc: {  	[sflag:s29] =	ssyncadd.s32 $0xFFFFFFFF  }
0xbd: {  	_ =	strace $0x90000048  }
0xbe: {  	_ =	sfence  }
0xbf: {  	s30 =	sld [smem:$0x0];
	_ =	sdelay $0x2  }
0xc0: {  	s31 =	sshll.u32 s1, $0xD;
	s1 =	sshrl.u32 s1, $0x2  }
0xc1: {  	s3 =	sand.u32 $0x4000, s31;
	s1 =	sadd.s32 s1, s30  }
0xc2: {  	s0 =	sor.u32 s3, s0;
	s1 =	sshll.u32 s1, $0x11  }
0xc3: {  	s0 =	sor.u32 s1, s0  }
0xc4: {  	s0 =	sadd.s32 $0x8F2B, s0  }
0xc5: {  	[sflag:s0] =	ssyncadd.remote.s32 $0x1  }
0xc6: {  	_ =	sfence.sel $0xFFFF  }
0xc7: {  	[dreg:$0x0] =	wrdreg $0xFFFFFFFF;
	(pc) =	sbr.abs _section_cstart, $3  }
0xc8: {  	[dreg:$0x1] =	wrdreg $0xFFFFFFFF  }
0xc9: {  	_ =	task.clear_ibuf [dreg:s9], $0x2FFFF;
	_ =	strace $0x9FFFFFFF  }
0xca: {  	(tm) =	ssettm $0x7FFFFFFF  }
0xcb: {  	_ =	shalt  }
tec
execute0_lowered:
.L_overlay_start_1:
0x0: {  	(tag) =	ssettag $0x1  }
0x1: {  	s6 =	rddreg [dreg:$0x0]  }
0x2: {  	s7 =	rddreg [dreg:$0x1]  }
0x3: {  	s0 =	srdreg.scid;
	s4 =	stileid.u32  }
0x4: {  	s2 =	rddreg [dreg:$0x3];
	s5 =	simm.s32 $0x0;
	s8 =	simm.s32 $0x8  }
0x5: {  	s17 =	simm.s32 $0x500;
	s0 =	sand.u32 $0x1, s0;
	s1 =	sshll.u32 s4, $0x1  }
0x6: {  	[smem:$0x7FF] =	sst s5;
	s24 =	sadd.s32 $0x96600, s2;
	s2 =	sadd.s32 $0xC00, s2  }
0x7: {  	p0 =	slt.u32 s4, $0xD;
	_ =	strace $0x80000047;
	[dreg:$0x6] =	wrdreg s24  }
0x8: {  	s1 =	sor.u32 s0, s1;
	s0 =	ssub.s32 $0x2, s0;
	[dreg:$0x7] =	wrdreg s2  }
0x9: {  	s8 =	simm.s32 @!p0 $0x7;
	s3 =	smul.u32 $0x7, s1;
	s1 =	smin.u32 s1, $0x1A  }
0xa: {  	s26 =	sshrl.u32 s0, $0x1;
	s30 =	sadd.s32 $0xFFFFFFFE, s8;
	[dreg:$0x8] =	wrdreg s8  }
0xb: {  	s31 =	sadd.s32 $0xFFFFFFFD, s8;
	[dreg:$0xd] =	wrdreg s30;
	s3 =	sadd.s32 s1, s3  }
0xc: {  	s0 =	ssub.s32 s0, s26;
	[dreg:$0xe] =	wrdreg s31;
	s25 =	smul.u32 $0x4B, s3  }
0xd: {  	s0 =	smax.u32 s0, $0x1;
	[dreg:$0x5] =	wrdreg s3;
	s3 =	smul.u32 $0x19, s3  }
.Ltmp0:
0xe: {  	[dreg:$0xf] =	wrdreg s0;
	s1 =	sadd.s32 s6, s25;
	(pc) =	sbr.rel .LBB2_1-.Ltmp0, $4  }
0xf: {  	s18 =	simm.s32 $0x280;
	v0 =	vlaneseq.u32;
	s28 =	sadd.s32 s7, s3;
	[dreg:$0x9] =	wrdreg s1  }
0x10: {  	s19 =	simm.s32 $0x600;
	v1 =	vimm.s32 $0x0;
	v2 =	vmul.u32 $0x3, v0;
	s1 =	sadd.s32 $0x4B, s1;
	[dreg:$0xa] =	wrdreg s28  }
0x11: {  	s21 =	simm.s32 $0x700;
	v3 =	vimm.s32 $0x31;
	v5 =	vimm.s32 $0x93;
	v4 =	vadd.s32 $0x21, v0;
	s29 =	sadd.s32 $0x19, s28;
	[dreg:$0xb] =	wrdreg s1  }
0x12: {  	s2 =	simm.s32 $0x0;
	v6 =	vadd.s32 $0x63, v2;
	v7 =	vadd.s32 $0x1, v2;
	v8 =	vadd.s32 $0x2, v2;
	s26 =	simm.s32 $0x7A00;
	[dreg:$0xc] =	wrdreg s29  }
.LBB2_17:
0x13: {  	s0 =	simm.s32 $0x3  }
0x14: {  	_ =	swait.ge [sflag:s0], $0x72D8  }
0x15: {  	[sflag:s0] =	ssyncset.done $0x0  }
0x16: {  	[sflag:s0] =	ssyncadd.s32 $0xFFFF8D28  }
0x17: {  	_ =	swait.ge [sflag:s0], $0x2648  }
0x18: {  	[sflag:s0] =	ssyncset.done $0x0  }
0x19: {  	[sflag:s0] =	ssyncadd.s32 $0xFFFFD9B8  }
0x1a: {  	_ =	swait.ge [sflag:s0], $0x2648  }
0x1b: {  	[sflag:s0] =	ssyncset.done $0x0  }
0x1c: {  	[sflag:s0] =	ssyncadd.s32 $0xFFFFD9B8  }
0x1d: {  	_ =	swait.ge [sflag:s0], $0x2648  }
0x1e: {  	[sflag:s0] =	ssyncset.done $0x0  }
0x1f: {  	s1 =	simm.s32 $0x4;
	[sflag:s0] =	ssyncadd.s32 $0xFFFFD9B8  }
0x20: {  	_ =	swait.ge [sflag:s1], $0x72D8  }
0x21: {  	[sflag:s1] =	ssyncset.done $0x0  }
0x22: {  	[sflag:s1] =	ssyncadd.s32 $0xFFFF8D28  }
0x23: {  	_ =	swait.ge [sflag:s1], $0x2648  }
0x24: {  	[sflag:s1] =	ssyncset.done $0x0  }
0x25: {  	[sflag:s1] =	ssyncadd.s32 $0xFFFFD9B8  }
0x26: {  	_ =	swait.ge [sflag:s1], $0x2648  }
0x27: {  	[sflag:s1] =	ssyncset.done $0x0  }
0x28: {  	[sflag:s1] =	ssyncadd.s32 $0xFFFFD9B8  }
0x29: {  	_ =	swait.ge [sflag:s1], $0x2648  }
0x2a: {  	s2 =	rddreg [dreg:$0x10]  }
0x2b: {  	s31 =	rddreg [dreg:$0xf];
	s2 =	sadd.s32 $0x1, s2  }
0x2c: {  	p0 =	sne.s32 s2, s31  }
.Ltmp1:
0x2d: {  	_ = 	snop;
	(pc) =	sbr.rel @!p0 .LBB2_18-.Ltmp1, $3  }
0x2e: {  	_ =	sdelay $0x1  }
0x2f: {  	[sflag:s1] =	ssyncset.done $0x0  }
0x30: {  	[sflag:s1] =	ssyncadd.s32 $0xFFFFD9B8  }
.LBB2_1:
0x31: {  	v9 =	vadd.s32 s5, v0  }
0x32: {  	v10 =	vmul.u32 $0x53A, v9;
	_ =	sdelay $0x1  }
0x33: {  	v10 =	vshrl.u32 v10, $0x10  }
0x34: {  	v11 =	vmul.u32 $0xFFFFFFCF, v10  }
0x35: {  	s0 =	simm.s32 $0x10  }
0x36: {  	v11 =	vadd.s32 v9, v11;
	v9 =	vadd.s32 s0, v0  }
0x37: {  	vm0 =	vge.s32 v11, v10;
	v12 =	vmul.u32 $0x53A, v9  }
0x38: {  	s3 =	simm.s32 $0x1D400;
	v13 =	vsel vm0, $0x1, v1  }
0x39: {  	[tilespmem:s3+$0x0] =	vst v10;
	s0 =	simm.s32 $0x1DE00;
	v11 =	vadd.s32 v13, v11;
	v13 =	vmul.u32 $0x3, v10;
	v10 =	vshrl.u32 v12, $0x10  }
0x3a: {  	s1 =	simm.s32 $0x1E800;
	[tilespmem:s0+$0x0] =	vst v11;
	v12 =	vmul.u32 $0xFFFFFFCF, v10;
	v11 =	vmul.u32 $0x3, v11  }
0x3b: {  	[dreg:$0x10] =	wrdreg s2;
	s2 =	simm.s32 $0x1F200;
	s4 =	simm.s32 $0x20;
	[tilespmem:s1+$0x0] =	vst v13  }
.LBB2_2:
0x3c: {  	p0 =	sne.s32 s4, $0x980;
	v12 =	vadd.s32 v9, v12;
	v9 =	vadd.s32 s4, v0;
	s4 =	sadd.s32 $0x10, s4;
	[tilespmem:s2+$0x0] =	vst v11;
	s3 =	sadd.s32 $0x10, s3  }
.Ltmp2:
0x3d: {  	v11 =	vmul.u32 $0x53A, v9;
	vm0 =	vge.s32 v12, v10;
	[tilespmem:s3+$0x0] =	vst v10;
	(pc) =	sbr.rel @p0 .LBB2_2-.Ltmp2, $4  }
0x3e: {  	v13 =	vsel vm0, $0x1, v1  }
0x3f: {  	v14 =	vmul.u32 $0x3, v10;
	s0 =	sadd.s32 $0x10, s0;
	v13 =	vadd.s32 v13, v12;
	v10 =	vshrl.u32 v11, $0x10  }
0x40: {  	s1 =	sadd.s32 $0x10, s1;
	v12 =	vmul.u32 $0xFFFFFFCF, v10;
	[tilespmem:s0+$0x0] =	vst v13;
	v11 =	vmul.u32 $0x3, v13  }
0x41: {  	s2 =	sadd.s32 $0x10, s2;
	[tilespmem:s1+$0x0] =	vst v14  }
0x42: {  	v9 =	vadd.s32 v9, v12  }
0x43: {  	vm0 =	vge.s32 v9, v10  }
0x44: {  	[tilespmem:s2+$0x0] =	vst v11;
	s3 =	sadd.s32 $0x10, s3;
	v11 =	vsel vm0, $0x1, v1  }
0x45: {  	s0 =	sadd.s32 $0x10, s0;
	[tilespmem:s3+$0x0] =	vst v10;
	v10 =	vmul.u32 $0x3, v10;
	v9 =	vadd.s32 v11, v9  }
0x46: {  	s24 =	sadd.s32 $0x10, s1;
	[tilespmem:s0+$0x0] =	vst v9;
	v9 =	vmul.u32 $0x3, v9  }
0x47: {  	s25 =	sadd.s32 $0x10, s2;
	[tilespmem:s24+$0x0] =	vst v10  }
0x48: {  	[tilespmem:s25+$0x0] =	vst v9  }
0x49: {  	[tilespmem:$0x1DD90] =	vst v3  }
0x4a: {  	[tilespmem:$0x1E790] =	vst v4  }
0x4b: {  	[tilespmem:$0x1F190] =	vst v5  }
0x4c: {  	s12 =	simm.s32 $0x0;
	s28 =	rddreg [dreg:$0x9];
	[tilespmem:$0x1FB90] =	vst v6  }
0x4d: {  	[tilespmem:s12], [sflag:$0x1] =	stream.linear.gather [hbm4b:s28+s12], $0x258, $0x38;
	[tilespmem:$0x1FC00] =	vst v63  }
0x4e: {  	s29 =	rddreg [dreg:$0xa]  }
0x4f: {  	[tilespmem:s17], [sflag:$0x1] =	stream.linear.gather [hbm4b:s29+s12], $0xC8, $0x38;
	[tilespmem:$0x1FC00] =	vst v63  }
.Ltmp3:
0x50: {  	_ = 	snop;
	(pc) =	sbr.rel .LBB2_4-.Ltmp3, $4  }
0x51: {  	s30 =	rddreg [dreg:$0xb]  }
0x52: {  	[tilespmem:s18], [sflag:$0x2] =	stream.linear.gather [hbm4b:s30+s12], $0x258, $0x38;
	[tilespmem:$0x1FC00] =	vst v63  }
0x53: {  	s31 =	rddreg [dreg:$0xc]  }
0x54: {  	[tilespmem:s19], [sflag:$0x2] =	stream.linear.gather [hbm4b:s31+s12], $0xC8, $0x38;
	[tilespmem:$0x1FC00] =	vst v63  }
.LBB2_16:
0x55: {  	s12 =	sadd.s32 $0x1, s12  }
0x56: {  	p0 =	sne.s32 s12, $0x4  }
.Ltmp4:
0x57: {  	_ = 	snop;
	(pc) =	sbr.rel @!p0 .LBB2_17-.Ltmp4, $1  }
0x58: {  	_ =	sdelay $0x3  }
.LBB2_4:
0x59: {  	s13 =	sshll.u32 s12, $0x1  }
0x5a: {  	p0 =	sge.u32 s13, s8  }
.Ltmp5:
0x5b: {  	_ = 	snop;
	(pc) =	sbr.rel @p0 .LBB2_10-.Ltmp5, $1  }
0x5c: {  	_ =	sdelay $0x3  }
0x5d: {  	s0 =	simm.s32 $0x1  }
0x5e: {  	_ =	swait.ge [sflag:s0], $0x258  }
0x5f: {  	[sflag:s0] =	ssyncset.done $0x0  }
0x60: {  	[sflag:s0] =	ssyncadd.s32 $0xFFFFFDA8  }
0x61: {  	_ =	swait.ge [sflag:s0], $0xC8  }
0x62: {  	p0 =	seq.s32 s12, $0x0;
	[sflag:s0] =	ssyncset.done $0x0  }
0x63: {  	[sflag:s0] =	ssyncadd.s32 $0xFFFFFF38;
	s0 =	simm.s32 @!p0 $0x3  }
0x64: {  	_ =	swait.ge @!p0 [sflag:s0], $0x72D8  }
0x65: {  	[sflag:s0] =	ssyncset.done @!p0 $0x0  }
0x66: {  	[sflag:s0] =	ssyncadd.s32 @!p0 $0xFFFF8D28  }
0x67: {  	_ =	swait.ge @!p0 [sflag:s0], $0x2648  }
0x68: {  	[sflag:s0] =	ssyncset.done @!p0 $0x0  }
0x69: {  	[sflag:s0] =	ssyncadd.s32 @!p0 $0xFFFFD9B8  }
0x6a: {  	_ =	swait.ge @!p0 [sflag:s0], $0x2648  }
0x6b: {  	[sflag:s0] =	ssyncset.done @!p0 $0x0  }
0x6c: {  	s15 =	simm.s32 $0xED00;
	[sflag:s0] =	ssyncadd.s32 @!p0 $0xFFFFD9B8  }
0x6d: {  	s14 =	simm.s32 $0x13A00;
	s4 =	simm.s32 $0x18700;
	_ =	swait.ge @!p0 [sflag:s0], $0x2648  }
0x6e: {  	s3 =	simm.s32 $0x0;
	s1 =	rddreg [dreg:$0x5];
	[sflag:s0] =	ssyncset.done @!p0 $0x0  }
0x6f: {  	s16 =	sadd.s32 s1, s13;
	[sflag:s0] =	ssyncadd.s32 @!p0 $0xFFFFD9B8;
	s0 =	simm.s32 $0x0  }
.LBB2_6:
0x70: {  	s1 =	simm.s32 $0x1E810  }
0x71: {  	s6 =	simm.s32 $0x1F210;
	v9 =	vld [tilespmem:s1+$0x0]  }
0x72: {  	s2 =	smul.u32 $0x32, s0;
	v10 =	vld [tilespmem:s6+$0x0]  }
0x73: {  	s7 =	smul.u32 $0x96, s0  }
0x74: {  	v11 =	vmov s2  }
0x75: {  	v12 =	vld [tilespmem:s1+$0xFFFFFFF0];
	v13 =	vbroadcast v11, $0x0;
	v11 =	vmov s7  }
0x76: {  	s25 =	simm.s32 $0x1D410;
	v14 =	vld [tilespmem:s6+$0xFFFFFFF0];
	v9 =	vadd.s32 v11, v9  }
0x77: {  	s9 =	simm.s32 $0x1DE10;
	v19 =	vld [tilespmem:s25+$0x0];
	v10 =	vadd.s32 v11, v10  }
0x78: {  	v17 =	vld [tilespmem:s9+$0x0]  }
0x79: {  	s23 =	smul.u32 $0x992, s0;
	s24 =	simm.s32 $0x10;
	s10 =	simm.s32 $0x1E830;
	v24 =	vld [tilespmem:s9+$0xFFFFFFF0]  }
0x7a: {  	v28 =	vld [tilespmem:s10+$0xFFFFFFF0];
	s2 =	smin.u32 s24, $0x982  }
0x7b: {  	s1 =	sadd.s32 s23, s2;
	v12 =	vadd.s32 v11, v12;
	v15 =	vld.idx.msk [tilespmem:v9+s5+$0x0], $0xffff  }
0x7c: {  	s1 =	smul.u32 $0x3, s1;
	v14 =	vadd.s32 v11, v14;
	v16 =	vld.idx.msk [tilespmem:v10+s5+$0x0], $0xffff  }
0x7d: {  	v30 =	vld [tilespmem:s25+$0xFFFFFFF0];
	s25 =	simm.s32 $0x1E850  }
0x7e: {  	v37 =	vld [tilespmem:s25+$0x0];
	v21 =	vadd.s32 s1, v2  }
0x7f: {  	v22 =	vadd.s32 $0x1, v9;
	v13 =	vld.idx.msk [tilespmem:v13+s17+$0x0], $0xffff  }
0x80: {  	v23 =	vadd.s32 $0x1, v10;
	v18 =	vld.idx.msk [tilespmem:v12+s5+$0x0], $0xffff  }
0x81: {  	v20 =	vld.idx.msk [tilespmem:v14+s5+$0x0], $0xffff;
	v15 =	vsub.f32 v16, v15  }
0x82: {  	s8 =	simm.s32 $0x1F230;
	v16 =	vld [tilespmem:s10+$0x0]  }
0x83: {  	v25 =	vadd.s32 s3, v2;
	[tilespmem:v21+s21+$0x0] =	vst.idx.msk $0xffff, v15;
	v21 =	vld [tilespmem:s8+$0x0]  }
0x84: {  	v26 =	vadd.s32 $0x1, v12;
	v22 =	vld.idx.msk [tilespmem:v22+s5+$0x0], $0xffff  }
0x85: {  	s20 =	simm.s32 $0x1D430;
	v27 =	vadd.s32 $0x1, v14;
	v23 =	vld.idx.msk [tilespmem:v23+s5+$0x0], $0xffff  }
0x86: {  	s11 =	simm.s32 $0x30;
	v43 =	vld [tilespmem:s20+$0xFFFFFFF0];
	v37 =	vadd.s32 v11, v37;
	v20 =	vsub.f32 v20, v18  }
0x87: {  	s22 =	smin.u32 s11, $0x982;
	s11 =	simm.s32 $0x1F250;
	v18 =	vld [tilespmem:s8+$0xFFFFFFF0];
	v29 =	vadd.s32 v11, v16;
	v16 =	vadd.s32 s1, v7  }
0x88: {  	v41 =	vld [tilespmem:s11+$0xFFFFFFF0];
	v9 =	vadd.s32 $0x2, v9;
	[tilespmem:v25+s21+$0x0] =	vst.idx.msk $0xffff, v20  }
0x89: {  	v10 =	vadd.s32 $0x2, v10;
	v25 =	vld.idx.msk [tilespmem:v26+s5+$0x0], $0xffff  }
0x8a: {  	v26 =	vld.idx.msk [tilespmem:v27+s5+$0x0], $0xffff;
	v21 =	vadd.s32 v11, v21;
	v22 =	vsub.f32 v23, v22  }
0x8b: {  	v57 =	vld.idx.msk [tilespmem:v37+s5+$0x0], $0xffff;
	v27 =	vadd.s32 v11, v28  }
0x8c: {  	v28 =	vadd.s32 v11, v18;
	v23 =	vadd.s32 s3, v7;
	v18 =	vld.idx.msk [tilespmem:v29+s5+$0x0], $0xffff;
	[tilespmem:v16+s21+$0x0] =	vst.idx.msk $0xffff, v22  }
0x8d: {  	v9 =	vld.idx.msk [tilespmem:v9+s5+$0x0], $0xffff  }
0x8e: {  	s6 =	sadd.s32 s23, s22;
	v12 =	vadd.s32 $0x2, v12;
	v10 =	vld.idx.msk [tilespmem:v10+s5+$0x0], $0xffff  }
0x8f: {  	v14 =	vadd.s32 $0x2, v14;
	s10 =	smul.u32 $0x3, s6;
	v25 =	vsub.f32 v26, v25;
	v31 =	vld.idx.msk [tilespmem:v21+s5+$0x0], $0xffff  }
0x90: {  	v26 =	vld.idx.msk [tilespmem:v27+s5+$0x0], $0xffff  }
0x91: {  	v52 =	vadd.s32 s1, v8;
	v56 =	vadd.s32 v11, v41;
	v32 =	vld.idx.msk [tilespmem:v28+s5+$0x0], $0xffff;
	[tilespmem:v23+s21+$0x0] =	vst.idx.msk $0xffff, v25;
	v23 =	vadd.s32 s10, v2  }
0x92: {  	v41 =	vadd.s32 s3, v8;
	v50 =	vadd.s32 $0x2, v56;
	v33 =	vadd.s32 $0x1, v29;
	v16 =	vld [tilespmem:s20+$0x0]  }
0x93: {  	v51 =	vadd.s32 $0x1, v37;
	v15 =	vmul.f32 v15, v15;
	v34 =	vadd.s32 $0x1, v21;
	v12 =	vld.idx.msk [tilespmem:v12+s5+$0x0], $0xffff  }
0x94: {  	s24 =	simm.s32 $0x1DE30;
	s6 =	sadd.s32 $0x60, s3;
	v22 =	vmul.f32 v22, v22;
	v14 =	vld.idx.msk [tilespmem:v14+s5+$0x0], $0xffff;
	v35 =	vsub.f32 v10, v9;
	v31 =	vsub.f32 v31, v18  }
0x95: {  	v20 =	vmul.f32 v20, v20;
	v9 =	vmul.u32 $0x32, v13;
	v13 =	vadd.s32 s6, v2;
	v18 =	vld [tilespmem:s24+$0x0]  }
0x96: {  	v37 =	vadd.s32 $0x2, v37;
	v15 =	vadd.f32 v22, v15;
	v22 =	vmul.f32 v35, v35;
	[tilespmem:v23+s21+$0x0] =	vst.idx.msk $0xffff, v31;
	v23 =	vld [tilespmem:s11+$0x0]  }
0x97: {  	v39 =	vadd.s32 $0x1, v27;
	v29 =	vadd.s32 $0x2, v29;
	v21 =	vadd.s32 $0x2, v21;
	v38 =	vld.idx.msk [tilespmem:v33+s5+$0x0], $0xffff  }
0x98: {  	v25 =	vmul.f32 v25, v25;
	v26 =	vsub.f32 v32, v26;
	v40 =	vadd.f32 v22, v15;
	v15 =	vld.idx.msk [tilespmem:v34+s5+$0x0], $0xffff  }
0x99: {  	v53 =	vld [tilespmem:s25+$0xFFFFFFF0];
	v33 =	vadd.s32 v9, v24;
	v24 =	vadd.s32 $0x2, v27;
	v27 =	vadd.s32 $0x1, v28  }
0x9a: {  	s9 =	simm.s32 $0x50;
	v36 =	vld [tilespmem:s24+$0xFFFFFFF0];
	[tilespmem:v13+s21+$0x0] =	vst.idx.msk $0xffff, v26;
	v13 =	vadd.s32 s10, v7;
	v22 =	vshra.s32 v40, $0x1;
	v54 =	vmul.f32 $5.000000000e-01, v40  }
0x9b: {  	s24 =	smin.u32 s9, $0x982;
	v31 =	vmul.f32 v31, v31;
	v28 =	vadd.s32 $0x2, v28;
	v42 =	vsub.s32 $0x5F3759DF, v22  }
0x9c: {  	s7 =	sadd.s32 s23, s24;
	v26 =	vmul.f32 v26, v26;
	v22 =	vadd.s32 v9, v30;
	v44 =	vmul.f32 v42, v54  }
0x9d: {  	s28 =	smul.u32 $0x3, s7;
	v45 =	vadd.s32 v11, v23;
	v23 =	vsub.f32 v14, v12;
	v14 =	vld.idx.msk [tilespmem:v39+s5+$0x0], $0xffff;
	v55 =	vsub.f32 v15, v38  }
0x9e: {  	v30 =	vadd.s32 v11, v53;
	v12 =	vadd.f32 v25, v20;
	v25 =	vld.idx.msk [tilespmem:v27+s5+$0x0], $0xffff;
	v20 =	vmul.f32 v42, v44  }
0x9f: {  	v49 =	vld.idx.msk [tilespmem:v56+s5+$0x0], $0xffff;
	v60 =	vadd.s32 s28, v2;
	v47 =	vadd.s32 $0x2, v30;
	v27 =	vmul.f32 v23, v23;
	[tilespmem:v13+s21+$0x0] =	vst.idx.msk $0xffff, v55  }
0xa0: {  	v15 =	vadd.s32 s6, v7;
	v34 =	vmul.f32 v55, v55;
	v20 =	vsub.f32 $1.500000000e+00, v20;
	v29 =	vld.idx.msk [tilespmem:v29+s5+$0x0], $0xffff  }
0xa1: {  	s25 =	simm.s32 $0x1E870;
	[tilespmem:v41+s21+$0x0] =	vst.idx.msk $0xffff, v23;
	v41 =	vadd.s32 v9, v19;
	v27 =	vadd.f32 v27, v12;
	v21 =	vld.idx.msk [tilespmem:v21+s5+$0x0], $0xffff  }
0xa2: {  	v55 =	vld [tilespmem:s25+$0x0];
	v12 =	vadd.s32 v9, v36;
	v31 =	vadd.f32 v34, v31;
	v20 =	vmul.f32 v42, v20  }
0xa3: {  	v58 =	vld.idx.msk [tilespmem:v45+s5+$0x0], $0xffff;
	v13 =	vshra.s32 v27, $0x1;
	v36 =	vmul.f32 $5.000000000e-01, v27;
	v14 =	vsub.f32 v25, v14  }
0xa4: {  	s1 =	simm.s32 $0x1F270;
	v46 =	vld.idx.msk [tilespmem:v30+s5+$0x0], $0xffff;
	v25 =	vadd.s32 $0x1, v30;
	v30 =	vadd.s32 $0x1, v56;
	v59 =	vsub.s32 $0x5F3759DF, v13  }
0xa5: {  	s20 =	simm.s32 $0x1DE50;
	v56 =	vld [tilespmem:s1+$0x0];
	v13 =	vadd.s32 v9, v43;
	v32 =	vmul.f32 v20, v54;
	v48 =	vmul.f32 v59, v36  }
0xa6: {  	v10 =	vmov s23;
	[tilespmem:v15+s21+$0x0] =	vst.idx.msk $0xffff, v14;
	v62 =	vmul.f32 v14, v14;
	v14 =	vld [tilespmem:s20+$0x0];
	v21 =	vsub.f32 v21, v29  }
0xa7: {  	v23 =	vadd.s32 v11, v55;
	v24 =	vld.idx.msk [tilespmem:v24+s5+$0x0], $0xffff;
	v29 =	vadd.s32 $0x1, v45;
	v15 =	vmul.f32 v32, v20  }
0xa8: {  	s11 =	simm.s32 $0x1D450;
	v28 =	vld.idx.msk [tilespmem:v28+s5+$0x0], $0xffff;
	v61 =	vmul.f32 v59, v48;
	v53 =	vsub.f32 v58, v57;
	v54 =	vmul.f32 v21, v21  }
0xa9: {  	v45 =	vadd.s32 $0x2, v45;
	v26 =	vadd.f32 v62, v26;
	v63 =	vsub.f32 $1.500000000e+00, v15;
	v15 =	vld [tilespmem:s11+$0x0]  }
0xaa: {  	s9 =	sadd.s32 $0x60, s6;
	v48 =	vadd.s32 s6, v8;
	v38 =	vsub.f32 $1.500000000e+00, v61;
	[tilespmem:v60+s21+$0x0] =	vst.idx.msk $0xffff, v53;
	v60 =	vld [tilespmem:s25+$0xFFFFFFF0];
	v43 =	vadd.f32 v54, v31  }
0xab: {  	v57 =	vadd.s32 s9, v2;
	v58 =	vsub.f32 v49, v46;
	v61 =	vld [tilespmem:s1+$0xFFFFFFF0];
	v20 =	vmul.f32 v63, v20  }
0xac: {  	[tilespmem:v52+s21+$0x0] =	vst.idx.msk $0xffff, v35;
	v31 =	vld.idx.msk [tilespmem:v51+s5+$0x0], $0xffff;
	v42 =	vmul.f32 v59, v38;
	v19 =	vshra.s32 v43, $0x1;
	v46 =	vmul.f32 $5.000000000e-01, v43  }
0xad: {  	v29 =	vld.idx.msk [tilespmem:v29+s5+$0x0], $0xffff;
	v28 =	vsub.f32 v28, v24;
	v20 =	vmul.f32 v20, v40;
	v35 =	vsub.s32 $0x5F3759DF, v19  }
0xae: {  	v39 =	vld [tilespmem:s20+$0xFFFFFFF0];
	v24 =	vadd.s32 v11, v56;
	v63 =	vadd.s32 v9, v17;
	v19 =	vmul.f32 v35, v46  }
0xaf: {  	v62 =	vadd.s32 s28, v7;
	v36 =	vmul.f32 v42, v36;
	v17 =	vmul.f32 v28, v28;
	[tilespmem:v10+s2+$0xED00 ss:$0x1] =	vst.idx.msk $0xffff, v20  }
0xb0: {  	v55 =	vmul.f32 v58, v58;
	v40 =	vadd.s32 s9, v7;
	v20 =	vld [tilespmem:s11+$0xFFFFFFF0];
	[tilespmem:v57+s21+$0x0] =	vst.idx.msk $0xffff, v58;
	v59 =	vmul.f32 v35, v19  }
0xb1: {  	v49 =	vadd.s32 v11, v60;
	v36 =	vmul.f32 v36, v42;
	v25 =	vld.idx.msk [tilespmem:v25+s5+$0x0], $0xffff;
	v19 =	vadd.f32 v17, v26  }
0xb2: {  	v60 =	vadd.s32 v11, v61;
	v52 =	vld.idx.msk [tilespmem:v30+s5+$0x0], $0xffff;
	v54 =	vsub.f32 v29, v31;
	v26 =	vsub.f32 $1.500000000e+00, v59  }
0xb3: {  	v61 =	vld.idx.msk [tilespmem:v23+s5+$0x0], $0xffff;
	v17 =	vadd.s32 v9, v39;
	[tilespmem:v10+s2+$0x13A00 ss:$0x1] =	vst.idx.msk $0xffff, v41;
	v30 =	vadd.s32 $0x1, v49;
	v36 =	vsub.f32 $1.500000000e+00, v36  }
0xb4: {  	s7 =	simm.s32 $0x70;
	v56 =	vld.idx.msk [tilespmem:v24+s5+$0x0], $0xffff;
	v29 =	vshra.s32 v19, $0x1;
	[tilespmem:v62+s21+$0x0] =	vst.idx.msk $0xffff, v54;
	v32 =	vmul.f32 $5.000000000e-01, v19;
	v35 =	vmul.f32 v35, v26  }
0xb5: {  	s30 =	smin.u32 s7, $0x982;
	v31 =	vadd.s32 $0x1, v60;
	[tilespmem:v10+s2+$0x18700 ss:$0x1] =	vst.idx.msk $0xffff, v63;
	v57 =	vld.idx.msk [tilespmem:v37+s5+$0x0], $0xffff;
	v58 =	vsub.s32 $0x5F3759DF, v29;
	v36 =	vmul.f32 v36, v42  }
0xb6: {  	s25 =	sadd.s32 s23, s30;
	v45 =	vld.idx.msk [tilespmem:v45+s5+$0x0], $0xffff;
	v29 =	vadd.s32 $0x2, v60;
	v62 =	vmul.f32 v58, v32;
	v63 =	vmul.f32 v35, v46  }
0xb7: {  	s29 =	smul.u32 $0x3, s25;
	[tilespmem:v48+s21+$0x0] =	vst.idx.msk $0xffff, v28;
	v26 =	vadd.s32 $0x2, v49;
	v25 =	vsub.f32 v52, v25;
	v27 =	vmul.f32 v36, v27  }
0xb8: {  	v38 =	vld.idx.msk [tilespmem:v49+s5+$0x0], $0xffff;
	v20 =	vadd.s32 v9, v20;
	v37 =	vmul.f32 v58, v62;
	v49 =	vmul.f32 v63, v35  }
0xb9: {  	s6 =	simm.s32 $0x1D470;
	v41 =	vld.idx.msk [tilespmem:v60+s5+$0x0], $0xffff;
	v46 =	vadd.s32 s29, v2;
	v62 =	vmul.f32 v54, v54;
	v52 =	vmul.f32 v25, v25  }
0xba: {  	[tilespmem:v40+s21+$0x0] =	vst.idx.msk $0xffff, v25;
	v25 =	vld [tilespmem:s6+$0x0];
	v59 =	vsub.f32 $1.500000000e+00, v37;
	v37 =	vadd.s32 s10, v8;
	v60 =	vsub.f32 $1.500000000e+00, v49  }
0xbb: {  	v44 =	vadd.s32 $0x1, v23;
	[tilespmem:s15+$0x0] =	vst v27;
	v27 =	vsub.f32 v56, v61;
	v39 =	vld.idx.msk [tilespmem:v47+s5+$0x0], $0xffff;
	v28 =	vsub.f32 v45, v57  }
0xbc: {  	s20 =	simm.s32 $0x1DE70;
	v61 =	vmul.f32 v53, v53;
	v42 =	vld.idx.msk [tilespmem:v50+s5+$0x0], $0xffff;
	[tilespmem:s14+$0x0] =	vst v22;
	v45 =	vadd.s32 $0x1, v24;
	v63 =	vmul.f32 v60, v35  }
0xbd: {  	s31 =	smov.u32 s4;
	s8 =	simm.s32 $0x1E890;
	s25 =	simm.s32 $0x6;
	v22 =	vld [tilespmem:s20+$0x0];
	v40 =	vadd.f32 v52, v55;
	[tilespmem:s4+$0x0] =	vst v33;
	v47 =	vmul.f32 v28, v28;
	v35 =	vmul.f32 v58, v59  }
0xbe: {  	v34 =	vadd.s32 s9, v8;
	s11 =	smov.u32 s14;
	s2 =	sadd.s32 $0x60, s9;
	s10 =	smov.u32 s15;
	v33 =	vld [tilespmem:s20+$0xFFFFFFF0];
	[tilespmem:v46+s21+$0x0] =	vst.idx.msk $0xffff, v27;
	v46 =	vadd.f32 v62, v61;
	v43 =	vmul.f32 v63, v43  }
.LBB2_7:
0xbf: {  	v48 =	vld [tilespmem:s8+$0x0];
	v38 =	vsub.f32 v41, v38;
	v49 =	vadd.s32 s2, v7;
	s1 =	sadd.s32 $0x20, s1;
	v32 =	vmul.f32 v35, v32;
	[tilespmem:v37+s21+$0x0] =	vst.idx.msk $0xffff, v21  }
0xc0: {  	v37 =	vadd.s32 s2, v2;
	v16 =	vadd.s32 v9, v16;
	v21 =	vld [tilespmem:s1+$0x0];
	v36 =	vadd.f32 v47, v46;
	[tilespmem:v10+s22+$0xED00 ss:$0x1] =	vst.idx.msk $0xffff, v43  }
0xc1: {  	v39 =	vsub.f32 v42, v39;
	v41 =	vld.idx.msk [tilespmem:v44+s5+$0x0], $0xffff;
	[tilespmem:v10+s22+$0x13A00 ss:$0x1] =	vst.idx.msk $0xffff, v16;
	v16 =	vadd.s32 v9, v18  }
0xc2: {  	v43 =	vmul.f32 v38, v38;
	v18 =	vld.idx.msk [tilespmem:v45+s5+$0x0], $0xffff;
	v42 =	vshra.s32 v36, $0x1;
	v44 =	vmul.f32 $5.000000000e-01, v36;
	[tilespmem:v10+s22+$0x18700 ss:$0x1] =	vst.idx.msk $0xffff, v16;
	s22 =	smov.u32 s24;
	s24 =	smov.u32 s30  }
0xc3: {  	v32 =	vmul.f32 v32, v35;
	v16 =	vld [tilespmem:s8+$0xFFFFFFF0];
	[tilespmem:v34+s21+$0x0] =	vst.idx.msk $0xffff, v39;
	v34 =	vmul.f32 v39, v39;
	v39 =	vsub.s32 $0x5F3759DF, v42  }
0xc4: {  	v42 =	vld [tilespmem:s1+$0xFFFFFFF0];
	v45 =	vadd.s32 v11, v48;
	v46 =	vmul.f32 v39, v44;
	v48 =	vmovc v17;
	v17 =	vadd.s32 v9, v33  }
0xc5: {  	v33 =	vadd.s32 v11, v21;
	v47 =	vld [tilespmem:s6+$0xFFFFFFF0];
	[tilespmem:v37+s21+$0x0] =	vst.idx.msk $0xffff, v38;
	v37 =	vadd.s32 s29, v7;
	v34 =	vadd.f32 v34, v40  }
0xc6: {  	v50 =	vmovc v29;
	v38 =	vadd.s32 $0x2, v23;
	v23 =	vmovc v45;
	v40 =	vld.idx.msk [tilespmem:v30+s5+$0x0], $0xffff;
	v57 =	vmul.f32 v39, v46;
	v46 =	vsub.f32 $1.500000000e+00, v32  }
0xc7: {  	v52 =	vadd.s32 $0x2, v24;
	v54 =	vmovc v13;
	v24 =	vmovc v33;
	v51 =	vld.idx.msk [tilespmem:v31+s5+$0x0], $0xffff;
	v53 =	vshra.s32 v34, $0x1;
	v32 =	vmul.f32 $5.000000000e-01, v34  }
0xc8: {  	s25 =	sadd.s32 $0x2, s25;
	v13 =	vmovc v20;
	v56 =	vsub.f32 v18, v41;
	v55 =	vadd.s32 v11, v16;
	v57 =	vsub.f32 $1.500000000e+00, v57;
	v16 =	vmovc v15  }
0xc9: {  	s7 =	sadd.s32 $0x20, s7;
	p0 =	slt.u32 s25, $0x98;
	v21 =	vmovc v28;
	v15 =	vmovc v25;
	v41 =	vadd.s32 v11, v42;
	v30 =	vadd.s32 $0x1, v55;
	v42 =	vadd.s32 $0x2, v55;
	v45 =	vld.idx.msk [tilespmem:v45+s5+$0x0], $0xffff  }
0xca: {  	s30 =	smin.u32 s7, $0x982;
	v31 =	vadd.s32 $0x1, v41;
	v29 =	vadd.s32 $0x2, v41;
	v25 =	vld.idx.msk [tilespmem:v33+s5+$0x0], $0xffff;
	[tilespmem:v37+s21+$0x0] =	vst.idx.msk $0xffff, v56;
	v33 =	vmul.f32 v39, v57  }
0xcb: {  	s9 =	sadd.s32 s23, s30;
	v18 =	vmovc v14;
	v35 =	vmul.f32 v46, v35;
	v20 =	vadd.s32 v9, v47;
	v47 =	vsub.s32 $0x5F3759DF, v53;
	v28 =	vld.idx.msk [tilespmem:v38+s5+$0x0], $0xffff  }
0xcc: {  	s9 =	smul.u32 $0x3, s9;
	v14 =	vmov v22;
	v37 =	vmul.f32 v47, v32;
	v46 =	vld.idx.msk [tilespmem:v52+s5+$0x0], $0xffff;
	v39 =	vmul.f32 v33, v44  }
0xcd: {  	v35 =	vmul.f32 v35, v19;
	v19 =	vmov v34;
	v22 =	vsub.f32 v51, v40;
	v38 =	vld.idx.msk [tilespmem:v55+s5+$0x0], $0xffff  }
0xce: {  	v40 =	vadd.s32 s9, v2;
	v37 =	vmul.f32 v47, v37;
	v41 =	vld.idx.msk [tilespmem:v41+s5+$0x0], $0xffff;
	v44 =	vmul.f32 v39, v33  }
0xcf: {  	s10 =	sadd.s32 $0x20, s10;
	v34 =	vadd.s32 s2, v8;
	[tilespmem:v49+s21+$0x0] =	vst.idx.msk $0xffff, v22;
	v49 =	vmul.f32 v22, v22  }
.Ltmp6:
0xd0: {  	s11 =	sadd.s32 $0x20, s11;
	v51 =	vsub.f32 $1.500000000e+00, v37;
	v37 =	vadd.s32 s28, v8;
	s28 =	smov.u32 s29;
	v39 =	vld.idx.msk [tilespmem:v26+s5+$0x0], $0xffff;
	v22 =	vsub.f32 $1.500000000e+00, v44;
	[tilespmem:s10+$0x0] =	vst v35;
	v26 =	vmovc v42;
	(pc) =	sbr.rel @p0 .LBB2_7-.Ltmp6, $4  }
0xd1: {  	s31 =	sadd.s32 $0x20, s31;
	s6 =	sadd.s32 $0x20, s6;
	s29 =	smov.u32 s9;
	v44 =	vadd.s32 $0x1, v23;
	v42 =	vld.idx.msk [tilespmem:v50+s5+$0x0], $0xffff;
	v50 =	vmul.f32 v27, v27;
	v27 =	vsub.f32 v25, v45;
	[tilespmem:s11+$0x0] =	vst v54  }
0xd2: {  	s20 =	sadd.s32 $0x20, s20;
	v52 =	vmul.f32 v56, v56;
	v28 =	vsub.f32 v46, v28;
	v25 =	vld [tilespmem:s6+$0x0];
	v53 =	vmul.f32 v22, v33;
	[tilespmem:s31+$0x0] =	vst v12  }
0xd3: {  	v45 =	vadd.s32 $0x1, v24;
	v35 =	vmul.f32 v47, v51;
	v22 =	vld [tilespmem:s20+$0x0];
	[tilespmem:v40+s21+$0x0] =	vst.idx.msk $0xffff, v27;
	v40 =	vadd.f32 v49, v43  }
0xd4: {  	s8 =	sadd.s32 $0x20, s8;
	s2 =	sadd.s32 $0x60, s2;
	v12 =	vmovc v48;
	v46 =	vadd.f32 v52, v50;
	v47 =	vmul.f32 v28, v28;
	v33 =	vld [tilespmem:s20+$0xFFFFFFF0];
	v43 =	vmul.f32 v53, v36  }
0xd5: {  	_ = 	snop  }
0xd6: {  	v11 =	vadd.s32 s2, v2;
	_ =	sdelay $0x2  }
0xd7: {  	v36 =	vld.idx.msk [tilespmem:v44+s5+$0x0], $0xffff;
	v38 =	vsub.f32 v41, v38  }
0xd8: {  	v59 =	vld.idx.msk [tilespmem:v45+s5+$0x0], $0xffff  }
0xd9: {  	v44 =	vld [tilespmem:s6+$0xFFFFFFF0];
	[tilespmem:v11+s21+$0x0] =	vst.idx.msk $0xffff, v38  }
0xda: {  	v11 =	vadd.s32 s29, v7;
	v30 =	vld.idx.msk [tilespmem:v30+s5+$0x0], $0xffff  }
0xdb: {  	v23 =	vadd.s32 $0x2, v23;
	v31 =	vld.idx.msk [tilespmem:v31+s5+$0x0], $0xffff  }
0xdc: {  	v24 =	vadd.s32 $0x2, v24  }
0xdd: {  	v60 =	vadd.s32 s2, v7;
	v36 =	vsub.f32 v59, v36;
	_ =	sdelay $0x1  }
0xde: {  	[tilespmem:v11+s21+$0x0] =	vst.idx.msk $0xffff, v36  }
0xdf: {  	v45 =	vadd.f32 v47, v46;
	v11 =	vld.idx.msk [tilespmem:v23+s5+$0x0], $0xffff;
	v61 =	vsub.f32 v31, v30  }
0xe0: {  	v24 =	vld.idx.msk [tilespmem:v24+s5+$0x0], $0xffff  }
0xe1: {  	v32 =	vmul.f32 v35, v32;
	v62 =	vshra.s32 v45, $0x1;
	v63 =	vmul.f32 $5.000000000e-01, v45;
	[tilespmem:v60+s21+$0x0] =	vst.idx.msk $0xffff, v61  }
0xe2: {  	v27 =	vmul.f32 v27, v27;
	v30 =	vsub.f32 v42, v39;
	v31 =	vsub.s32 $0x5F3759DF, v62;
	v26 =	vld.idx.msk [tilespmem:v26+s5+$0x0], $0xffff  }
0xe3: {  	v16 =	vadd.s32 v9, v16;
	v49 =	vmul.f32 v32, v35;
	v47 =	vmul.f32 v31, v63;
	v29 =	vld.idx.msk [tilespmem:v29+s5+$0x0], $0xffff  }
0xe4: {  	v18 =	vadd.s32 v9, v18;
	v36 =	vmul.f32 v36, v36;
	v46 =	vmul.f32 v30, v30  }
0xe5: {  	v38 =	vmul.f32 v38, v38;
	v48 =	vmul.f32 v31, v47;
	v11 =	vsub.f32 v24, v11  }
0xe6: {  	v27 =	vadd.f32 v36, v27;
	v23 =	vmul.f32 v61, v61;
	v40 =	vadd.f32 v46, v40  }
0xe7: {  	v41 =	vsub.f32 $1.500000000e+00, v48;
	v24 =	vsub.f32 $1.500000000e+00, v49;
	v52 =	vmul.f32 v11, v11  }
0xe8: {  	v50 =	vshra.s32 v40, $0x1;
	v51 =	vmul.f32 $5.000000000e-01, v40;
	v26 =	vsub.f32 v29, v26  }
0xe9: {  	v32 =	vsub.s32 $0x5F3759DF, v50;
	v31 =	vmul.f32 v31, v41;
	v27 =	vadd.f32 v52, v27  }
0xea: {  	v23 =	vadd.f32 v23, v38;
	v53 =	vmul.f32 v32, v51;
	v54 =	vmul.f32 v26, v26  }
0xeb: {  	v24 =	vmul.f32 v24, v35;
	v55 =	vshra.s32 v27, $0x1;
	v56 =	vmul.f32 $5.000000000e-01, v27  }
0xec: {  	v29 =	vmul.f32 v32, v53;
	v38 =	vsub.s32 $0x5F3759DF, v55;
	v23 =	vadd.f32 v54, v23  }
0xed: {  	v62 =	vadd.s32 s28, v8;
	v39 =	vmul.f32 v31, v63;
	v57 =	vmul.f32 v38, v56  }
0xee: {  	[tilespmem:v37+s21+$0x0] =	vst.idx.msk $0xffff, v21;
	v29 =	vsub.f32 $1.500000000e+00, v29;
	v36 =	vshra.s32 v23, $0x1;
	v59 =	vmul.f32 $5.000000000e-01, v23  }
0xef: {  	[tilespmem:v10+s22+$0xED00 ss:$0x1] =	vst.idx.msk $0xffff, v43;
	v58 =	vmul.f32 v39, v31;
	v60 =	vmul.f32 v38, v57;
	v61 =	vsub.s32 $0x5F3759DF, v36  }
0xf0: {  	[tilespmem:v10+s22+$0x13A00 ss:$0x1] =	vst.idx.msk $0xffff, v16;
	v50 =	vadd.s32 s2, v8;
	v29 =	vmul.f32 v32, v29;
	v36 =	vmul.f32 v61, v59  }
0xf1: {  	[tilespmem:v10+s22+$0x18700 ss:$0x1] =	vst.idx.msk $0xffff, v18;
	v63 =	vmul.f32 v24, v19;
	v21 =	vsub.f32 $1.500000000e+00, v58;
	v42 =	vsub.f32 $1.500000000e+00, v60  }
0xf2: {  	[tilespmem:v34+s21+$0x0] =	vst.idx.msk $0xffff, v30;
	v39 =	vmul.f32 v29, v51;
	v43 =	vmul.f32 v61, v36  }
0xf3: {  	s1 =	sadd.s32 $0x20, s10;
	[tilespmem:v62+s21+$0x0] =	vst.idx.msk $0xffff, v28;
	v21 =	vmul.f32 v21, v31;
	v47 =	vmul.f32 v38, v42  }
0xf4: {  	s25 =	sadd.s32 $0x20, s11;
	[tilespmem:s1+$0x0] =	vst v63;
	v46 =	vmul.f32 v39, v29;
	v49 =	vsub.f32 $1.500000000e+00, v43  }
0xf5: {  	[tilespmem:s25+$0x0] =	vst v13;
	v48 =	vmul.f32 v21, v45;
	v52 =	vmul.f32 v47, v56  }
0xf6: {  	s28 =	sadd.s32 $0x20, s31;
	[tilespmem:v50+s21+$0x0] =	vst.idx.msk $0xffff, v26;
	v60 =	vadd.s32 s29, v8;
	v51 =	vsub.f32 $1.500000000e+00, v46;
	v53 =	vmul.f32 v61, v49  }
0xf7: {  	v54 =	vadd.s32 v9, v15;
	[tilespmem:s28+$0x0] =	vst v12;
	v56 =	vmul.f32 v52, v47  }
0xf8: {  	[tilespmem:v10+s24+$0xED00 ss:$0x1] =	vst.idx.msk $0xffff, v48;
	v55 =	vmul.f32 v51, v29;
	v58 =	vmul.f32 v53, v59  }
0xf9: {  	v57 =	vadd.s32 v9, v14;
	[tilespmem:v10+s24+$0x13A00 ss:$0x1] =	vst.idx.msk $0xffff, v54;
	v16 =	vsub.f32 $1.500000000e+00, v56  }
0xfa: {  	[tilespmem:v10+s24+$0x18700 ss:$0x1] =	vst.idx.msk $0xffff, v57;
	v59 =	vmul.f32 v55, v40;
	v14 =	vmul.f32 v58, v53  }
0xfb: {  	s1 =	sadd.s32 $0x20, s1;
	[tilespmem:v60+s21+$0x0] =	vst.idx.msk $0xffff, v11;
	v61 =	vmul.f32 v16, v47  }
0xfc: {  	s6 =	sadd.s32 $0x20, s25;
	[tilespmem:s1+$0x0] =	vst v59;
	v14 =	vsub.f32 $1.500000000e+00, v14  }
0xfd: {  	s2 =	sadd.s32 $0x20, s28;
	[tilespmem:s6+$0x0] =	vst v20;
	v12 =	vmul.f32 v61, v27  }
0xfe: {  	s0 =	sadd.s32 $0x1, s0;
	[tilespmem:s2+$0x0] =	vst v17;
	v11 =	vmul.f32 v14, v53  }
0xff: {  	p0 =	sne.s32 s0, $0x4;
	v62 =	vadd.s32 v9, v25;
	[tilespmem:v10+s30+$0xED00 ss:$0x1] =	vst.idx.msk $0xffff, v12  }
.Ltmp7:
0x100: {  	v63 =	vadd.s32 v9, v22;
	[tilespmem:v10+s30+$0x13A00 ss:$0x1] =	vst.idx.msk $0xffff, v62;
	v11 =	vmul.f32 v11, v23;
	(pc) =	sbr.rel @p0 .LBB2_6-.Ltmp7, $4  }
0x101: {  	s1 =	sadd.s32 $0x20, s1;
	[tilespmem:v10+s30+$0x18700 ss:$0x1] =	vst.idx.msk $0xffff, v63  }
0x102: {  	v10 =	vadd.s32 v9, v44;
	s30 =	sadd.s32 $0x20, s6;
	[tilespmem:s1+$0x0] =	vst v11  }
0x103: {  	s15 =	sadd.s32 $0x992, s15;
	s31 =	sadd.s32 $0x20, s2;
	v9 =	vadd.s32 v9, v33;
	[tilespmem:s30+$0x0] =	vst v10  }
0x104: {  	s14 =	sadd.s32 $0x992, s14;
	s4 =	sadd.s32 $0x992, s4;
	s3 =	sadd.s32 $0x1CB6, s3;
	[tilespmem:s31+$0x0] =	vst v9  }
0x105: {  	s0 =	rddreg [dreg:$0xd]  }
0x106: {  	p0 =	sge.u32 s13, s0  }
0x107: {  	s0 =	sadd.s32 @!p0 $0x2, s16  }
0x108: {  	s2 =	rddreg [dreg:$0x0];
	s1 =	smul.u32 @!p0 $0x4B, s0  }
0x109: {  	s3 =	smul.u32 $0xE5B, s16;
	s15 =	rddreg [dreg:$0x2]  }
0x10a: {  	s0 =	smul.u32 @!p0 $0x19, s0;
	s1 =	sadd.s32 @!p0 s2, s1;
	s2 =	simm.s32 @!p0 $0x0  }
0x10b: {  	[tilespmem:s2], [sflag:$0x1] =	stream.linear.gather @!p0 [hbm4b:s1+s2], $0x258, $0x38;
	[tilespmem:$0x1FC00] =	vst v63  }
0x10c: {  	s20 =	smul.u32 $0x4C9, s16;
	s1 =	rddreg [dreg:$0x1]  }
0x10d: {  	s22 =	rddreg [dreg:$0x6];
	s0 =	sadd.s32 @!p0 s1, s0;
	s1 =	simm.s32 @!p0 $0x500  }
0x10e: {  	[tilespmem:s1], [sflag:$0x1] =	stream.linear.gather @!p0 [hbm4b:s0+s2], $0xC8, $0x38;
	[tilespmem:$0x1FC00] =	vst v63  }
0x10f: {  	s23 =	simm.s32 $0xED00;
	s28 =	smul.u32 $0x2648, s16;
	s0 =	sadd.s32 s15, s3  }
0x110: {  	[hbm4b:s0+s5] =	stream.linear.scatter [tilespmem:s21], [sflag:$0x3], $0x72D8, $0x38;
	[tilespmem:$0x1FC00] =	vst v63  }
0x111: {  	s24 =	rddreg [dreg:$0x7];
	s30 =	sshrl.u32 s28, $0x3;
	s0 =	sadd.s32 s22, s20  }
0x112: {  	[hbm4b:s0+s5] =	stream.linear.scatter [tilespmem:s23], [sflag:$0x3], $0x2648, $0x38;
	[tilespmem:$0x1FC00] =	vst v63  }
0x113: {  	s29 =	simm.s32 $0x13A00;
	s25 =	sadd.s32 s24, s20;
	s0 =	sadd.s32 s24, s30  }
0x114: {  	[hbm4b:s25+s5] =	stream.linear.scatter [tilespmem:s29], [sflag:$0x3], $0x2648, $0x38;
	[tilespmem:$0x1FC00] =	vst v63  }
0x115: {  	s31 =	simm.s32 $0x18700;
	s8 =	rddreg [dreg:$0x8];
	s0 =	sadd.s32 $0x4AC4A, s0  }
0x116: {  	[hbm4b:s0+s5] =	stream.linear.scatter [tilespmem:s31], [sflag:$0x3], $0x2648, $0x38;
	[tilespmem:$0x1FC00] =	vst v63  }
.LBB2_10:
0x117: {  	s0 =	sor.u32 $0x1, s13  }
0x118: {  	p0 =	sge.u32 s0, s8  }
.Ltmp8:
0x119: {  	_ = 	snop;
	(pc) =	sbr.rel @p0 .LBB2_16-.Ltmp8, $1  }
0x11a: {  	_ =	sdelay $0x3  }
0x11b: {  	s1 =	simm.s32 $0x2  }
0x11c: {  	_ =	swait.ge [sflag:s1], $0x258  }
0x11d: {  	[sflag:s1] =	ssyncset.done $0x0  }
0x11e: {  	[sflag:s1] =	ssyncadd.s32 $0xFFFFFDA8  }
0x11f: {  	_ =	swait.ge [sflag:s1], $0xC8  }
0x120: {  	p0 =	seq.s32 s12, $0x0;
	[sflag:s1] =	ssyncset.done $0x0  }
0x121: {  	[sflag:s1] =	ssyncadd.s32 $0xFFFFFF38;
	s1 =	simm.s32 @!p0 $0x4  }
0x122: {  	_ =	swait.ge @!p0 [sflag:s1], $0x72D8  }
0x123: {  	[sflag:s1] =	ssyncset.done @!p0 $0x0  }
0x124: {  	[sflag:s1] =	ssyncadd.s32 @!p0 $0xFFFF8D28  }
0x125: {  	_ =	swait.ge @!p0 [sflag:s1], $0x2648  }
0x126: {  	[sflag:s1] =	ssyncset.done @!p0 $0x0  }
0x127: {  	[sflag:s1] =	ssyncadd.s32 @!p0 $0xFFFFD9B8  }
0x128: {  	_ =	swait.ge @!p0 [sflag:s1], $0x2648  }
0x129: {  	[sflag:s1] =	ssyncset.done @!p0 $0x0  }
0x12a: {  	s10 =	simm.s32 $0x11380;
	[sflag:s1] =	ssyncadd.s32 @!p0 $0xFFFFD9B8  }
0x12b: {  	s11 =	simm.s32 $0x16080;
	s31 =	simm.s32 $0x1AD80;
	_ =	swait.ge @!p0 [sflag:s1], $0x2648  }
0x12c: {  	s3 =	simm.s32 $0x0;
	s2 =	rddreg [dreg:$0x5];
	[sflag:s1] =	ssyncset.done @!p0 $0x0  }
0x12d: {  	s16 =	sadd.s32 s2, s0;
	[sflag:s1] =	ssyncadd.s32 @!p0 $0xFFFFD9B8;
	s0 =	simm.s32 $0x0  }
.LBB2_12:
0x12e: {  	s1 =	simm.s32 $0x1E810  }
0x12f: {  	s4 =	simm.s32 $0x1F210;
	v9 =	vld [tilespmem:s1+$0x0]  }
0x130: {  	s2 =	smul.u32 $0x32, s0;
	v10 =	vld [tilespmem:s4+$0x0]  }
0x131: {  	s6 =	smul.u32 $0x96, s0  }
0x132: {  	v11 =	vmov s2  }
0x133: {  	v12 =	vld [tilespmem:s1+$0xFFFFFFF0];
	v13 =	vbroadcast v11, $0x0;
	v11 =	vmov s6  }
0x134: {  	s8 =	simm.s32 $0x1D410;
	v14 =	vld [tilespmem:s4+$0xFFFFFFF0];
	v9 =	vadd.s32 v11, v9  }
0x135: {  	s9 =	simm.s32 $0x1DE10;
	v19 =	vld [tilespmem:s8+$0x0];
	v10 =	vadd.s32 v11, v10  }
0x136: {  	v17 =	vld [tilespmem:s9+$0x0]  }
0x137: {  	s23 =	smul.u32 $0x992, s0;
	s7 =	simm.s32 $0x10;
	s14 =	simm.s32 $0x1E830;
	v24 =	vld [tilespmem:s9+$0xFFFFFFF0]  }
0x138: {  	v28 =	vld [tilespmem:s14+$0xFFFFFFF0];
	s2 =	smin.u32 s7, $0x982  }
0x139: {  	s1 =	sadd.s32 s23, s2;
	v12 =	vadd.s32 v11, v12;
	v15 =	vld.idx.msk [tilespmem:v9+s18+$0x0], $0xffff  }
0x13a: {  	s1 =	smul.u32 $0x3, s1;
	v14 =	vadd.s32 v11, v14;
	v16 =	vld.idx.msk [tilespmem:v10+s18+$0x0], $0xffff  }
0x13b: {  	v30 =	vld [tilespmem:s8+$0xFFFFFFF0];
	s8 =	simm.s32 $0x1E850  }
0x13c: {  	v37 =	vld [tilespmem:s8+$0x0];
	v21 =	vadd.s32 s1, v2  }
0x13d: {  	v22 =	vadd.s32 $0x1, v9;
	v13 =	vld.idx.msk [tilespmem:v13+s19+$0x0], $0xffff  }
0x13e: {  	v23 =	vadd.s32 $0x1, v10;
	v18 =	vld.idx.msk [tilespmem:v12+s18+$0x0], $0xffff  }
0x13f: {  	v20 =	vld.idx.msk [tilespmem:v14+s18+$0x0], $0xffff;
	v15 =	vsub.f32 v16, v15  }
0x140: {  	s7 =	simm.s32 $0x1F230;
	v16 =	vld [tilespmem:s14+$0x0]  }
0x141: {  	v25 =	vadd.s32 s3, v2;
	[tilespmem:v21+s26+$0x0] =	vst.idx.msk $0xffff, v15;
	v21 =	vld [tilespmem:s7+$0x0]  }
0x142: {  	v26 =	vadd.s32 $0x1, v12;
	v22 =	vld.idx.msk [tilespmem:v22+s18+$0x0], $0xffff  }
0x143: {  	s24 =	simm.s32 $0x1DE30;
	v27 =	vadd.s32 $0x1, v14;
	v23 =	vld.idx.msk [tilespmem:v23+s18+$0x0], $0xffff  }
0x144: {  	v36 =	vld [tilespmem:s24+$0xFFFFFFF0];
	v37 =	vadd.s32 v11, v37;
	v20 =	vsub.f32 v20, v18  }
0x145: {  	s9 =	simm.s32 $0x1F250;
	v18 =	vld [tilespmem:s7+$0xFFFFFFF0];
	v29 =	vadd.s32 v11, v16;
	v16 =	vadd.s32 s1, v7  }
0x146: {  	v41 =	vld [tilespmem:s9+$0xFFFFFFF0];
	v9 =	vadd.s32 $0x2, v9;
	[tilespmem:v25+s26+$0x0] =	vst.idx.msk $0xffff, v20  }
0x147: {  	v10 =	vadd.s32 $0x2, v10;
	v25 =	vld.idx.msk [tilespmem:v26+s18+$0x0], $0xffff  }
0x148: {  	v26 =	vld.idx.msk [tilespmem:v27+s18+$0x0], $0xffff;
	v21 =	vadd.s32 v11, v21;
	v22 =	vsub.f32 v23, v22  }
0x149: {  	v57 =	vld.idx.msk [tilespmem:v37+s18+$0x0], $0xffff;
	v27 =	vadd.s32 v11, v28  }
0x14a: {  	s15 =	simm.s32 $0x30;
	v28 =	vadd.s32 v11, v18;
	v23 =	vadd.s32 s3, v7;
	v18 =	vld.idx.msk [tilespmem:v29+s18+$0x0], $0xffff;
	[tilespmem:v16+s26+$0x0] =	vst.idx.msk $0xffff, v22  }
0x14b: {  	s22 =	smin.u32 s15, $0x982;
	v9 =	vld.idx.msk [tilespmem:v9+s18+$0x0], $0xffff  }
0x14c: {  	s4 =	sadd.s32 s23, s22;
	v12 =	vadd.s32 $0x2, v12;
	v10 =	vld.idx.msk [tilespmem:v10+s18+$0x0], $0xffff  }
0x14d: {  	s4 =	smul.u32 $0x3, s4;
	v14 =	vadd.s32 $0x2, v14;
	v25 =	vsub.f32 v26, v25;
	v31 =	vld.idx.msk [tilespmem:v21+s18+$0x0], $0xffff  }
0x14e: {  	v26 =	vld.idx.msk [tilespmem:v27+s18+$0x0], $0xffff  }
0x14f: {  	s20 =	simm.s32 $0x1D430;
	v52 =	vadd.s32 s1, v8;
	v56 =	vadd.s32 v11, v41;
	v32 =	vld.idx.msk [tilespmem:v28+s18+$0x0], $0xffff;
	[tilespmem:v23+s26+$0x0] =	vst.idx.msk $0xffff, v25;
	v23 =	vadd.s32 s4, v2  }
0x150: {  	v41 =	vadd.s32 s3, v8;
	v50 =	vadd.s32 $0x2, v56;
	v33 =	vadd.s32 $0x1, v29;
	v16 =	vld [tilespmem:s20+$0x0]  }
0x151: {  	v51 =	vadd.s32 $0x1, v37;
	v15 =	vmul.f32 v15, v15;
	v34 =	vadd.s32 $0x1, v21;
	v12 =	vld.idx.msk [tilespmem:v12+s18+$0x0], $0xffff  }
0x152: {  	s25 =	sadd.s32 $0x60, s3;
	v22 =	vmul.f32 v22, v22;
	v14 =	vld.idx.msk [tilespmem:v14+s18+$0x0], $0xffff;
	v35 =	vsub.f32 v10, v9;
	v31 =	vsub.f32 v31, v18  }
0x153: {  	v20 =	vmul.f32 v20, v20;
	v9 =	vmul.u32 $0x32, v13;
	v13 =	vadd.s32 s25, v2;
	v18 =	vld [tilespmem:s24+$0x0]  }
0x154: {  	v37 =	vadd.s32 $0x2, v37;
	v15 =	vadd.f32 v22, v15;
	v22 =	vmul.f32 v35, v35;
	[tilespmem:v23+s26+$0x0] =	vst.idx.msk $0xffff, v31;
	v23 =	vld [tilespmem:s9+$0x0]  }
0x155: {  	v39 =	vadd.s32 $0x1, v27;
	v29 =	vadd.s32 $0x2, v29;
	v21 =	vadd.s32 $0x2, v21;
	v38 =	vld.idx.msk [tilespmem:v33+s18+$0x0], $0xffff  }
0x156: {  	v25 =	vmul.f32 v25, v25;
	v26 =	vsub.f32 v32, v26;
	v40 =	vadd.f32 v22, v15;
	v15 =	vld.idx.msk [tilespmem:v34+s18+$0x0], $0xffff  }
0x157: {  	v53 =	vld [tilespmem:s8+$0xFFFFFFF0];
	v33 =	vadd.s32 v9, v24;
	v24 =	vadd.s32 $0x2, v27;
	v27 =	vadd.s32 $0x1, v28  }
0x158: {  	v43 =	vld [tilespmem:s20+$0xFFFFFFF0];
	s8 =	simm.s32 $0x50;
	[tilespmem:v13+s26+$0x0] =	vst.idx.msk $0xffff, v26;
	v13 =	vadd.s32 s4, v7;
	v22 =	vshra.s32 v40, $0x1;
	v54 =	vmul.f32 $5.000000000e-01, v40  }
0x159: {  	s24 =	smin.u32 s8, $0x982;
	v31 =	vmul.f32 v31, v31;
	v28 =	vadd.s32 $0x2, v28;
	v42 =	vsub.s32 $0x5F3759DF, v22  }
0x15a: {  	s7 =	sadd.s32 s23, s24;
	v26 =	vmul.f32 v26, v26;
	v22 =	vadd.s32 v9, v30;
	v44 =	vmul.f32 v42, v54  }
0x15b: {  	s28 =	smul.u32 $0x3, s7;
	v45 =	vadd.s32 v11, v23;
	v23 =	vsub.f32 v14, v12;
	v14 =	vld.idx.msk [tilespmem:v39+s18+$0x0], $0xffff;
	v55 =	vsub.f32 v15, v38  }
0x15c: {  	v30 =	vadd.s32 v11, v53;
	v12 =	vadd.f32 v25, v20;
	v25 =	vld.idx.msk [tilespmem:v27+s18+$0x0], $0xffff;
	v20 =	vmul.f32 v42, v44  }
0x15d: {  	v49 =	vld.idx.msk [tilespmem:v56+s18+$0x0], $0xffff;
	v60 =	vadd.s32 s28, v2;
	v47 =	vadd.s32 $0x2, v30;
	v27 =	vmul.f32 v23, v23;
	[tilespmem:v13+s26+$0x0] =	vst.idx.msk $0xffff, v55  }
0x15e: {  	v15 =	vadd.s32 s25, v7;
	v34 =	vmul.f32 v55, v55;
	v20 =	vsub.f32 $1.500000000e+00, v20;
	v29 =	vld.idx.msk [tilespmem:v29+s18+$0x0], $0xffff  }
0x15f: {  	s20 =	simm.s32 $0x1E870;
	[tilespmem:v41+s26+$0x0] =	vst.idx.msk $0xffff, v23;
	v41 =	vadd.s32 v9, v19;
	v27 =	vadd.f32 v27, v12;
	v21 =	vld.idx.msk [tilespmem:v21+s18+$0x0], $0xffff  }
0x160: {  	v55 =	vld [tilespmem:s20+$0x0];
	v12 =	vadd.s32 v9, v36;
	v31 =	vadd.f32 v34, v31;
	v20 =	vmul.f32 v42, v20  }
0x161: {  	v58 =	vld.idx.msk [tilespmem:v45+s18+$0x0], $0xffff;
	v13 =	vshra.s32 v27, $0x1;
	v36 =	vmul.f32 $5.000000000e-01, v27;
	v14 =	vsub.f32 v25, v14  }
0x162: {  	s1 =	simm.s32 $0x1F270;
	v46 =	vld.idx.msk [tilespmem:v30+s18+$0x0], $0xffff;
	v25 =	vadd.s32 $0x1, v30;
	v30 =	vadd.s32 $0x1, v56;
	v59 =	vsub.s32 $0x5F3759DF, v13  }
0x163: {  	s15 =	simm.s32 $0x1DE50;
	v56 =	vld [tilespmem:s1+$0x0];
	v13 =	vadd.s32 v9, v43;
	v32 =	vmul.f32 v20, v54;
	v48 =	vmul.f32 v59, v36  }
0x164: {  	v10 =	vmov s23;
	[tilespmem:v15+s26+$0x0] =	vst.idx.msk $0xffff, v14;
	v62 =	vmul.f32 v14, v14;
	v14 =	vld [tilespmem:s15+$0x0];
	v21 =	vsub.f32 v21, v29  }
0x165: {  	v23 =	vadd.s32 v11, v55;
	v24 =	vld.idx.msk [tilespmem:v24+s18+$0x0], $0xffff;
	v29 =	vadd.s32 $0x1, v45;
	v15 =	vmul.f32 v32, v20  }
0x166: {  	s9 =	simm.s32 $0x1D450;
	v28 =	vld.idx.msk [tilespmem:v28+s18+$0x0], $0xffff;
	v61 =	vmul.f32 v59, v48;
	v53 =	vsub.f32 v58, v57;
	v54 =	vmul.f32 v21, v21  }
0x167: {  	v45 =	vadd.s32 $0x2, v45;
	v26 =	vadd.f32 v62, v26;
	v63 =	vsub.f32 $1.500000000e+00, v15;
	v15 =	vld [tilespmem:s9+$0x0]  }
0x168: {  	s14 =	sadd.s32 $0x60, s25;
	v48 =	vadd.s32 s25, v8;
	v38 =	vsub.f32 $1.500000000e+00, v61;
	[tilespmem:v60+s26+$0x0] =	vst.idx.msk $0xffff, v53;
	v60 =	vld [tilespmem:s20+$0xFFFFFFF0];
	v43 =	vadd.f32 v54, v31  }
0x169: {  	v57 =	vadd.s32 s14, v2;
	v58 =	vsub.f32 v49, v46;
	v61 =	vld [tilespmem:s1+$0xFFFFFFF0];
	v20 =	vmul.f32 v63, v20  }
0x16a: {  	[tilespmem:v52+s26+$0x0] =	vst.idx.msk $0xffff, v35;
	v31 =	vld.idx.msk [tilespmem:v51+s18+$0x0], $0xffff;
	v42 =	vmul.f32 v59, v38;
	v19 =	vshra.s32 v43, $0x1;
	v46 =	vmul.f32 $5.000000000e-01, v43  }
0x16b: {  	v29 =	vld.idx.msk [tilespmem:v29+s18+$0x0], $0xffff;
	v28 =	vsub.f32 v28, v24;
	v20 =	vmul.f32 v20, v40;
	v35 =	vsub.s32 $0x5F3759DF, v19  }
0x16c: {  	v39 =	vld [tilespmem:s15+$0xFFFFFFF0];
	v24 =	vadd.s32 v11, v56;
	v63 =	vadd.s32 v9, v17;
	v19 =	vmul.f32 v35, v46  }
0x16d: {  	v62 =	vadd.s32 s28, v7;
	v36 =	vmul.f32 v42, v36;
	v17 =	vmul.f32 v28, v28;
	[tilespmem:v10+s2+$0x11380 ss:$0x1] =	vst.idx.msk $0xffff, v20  }
0x16e: {  	v55 =	vmul.f32 v58, v58;
	v40 =	vadd.s32 s14, v7;
	v20 =	vld [tilespmem:s9+$0xFFFFFFF0];
	[tilespmem:v57+s26+$0x0] =	vst.idx.msk $0xffff, v58;
	v59 =	vmul.f32 v35, v19  }
0x16f: {  	v49 =	vadd.s32 v11, v60;
	v36 =	vmul.f32 v36, v42;
	v25 =	vld.idx.msk [tilespmem:v25+s18+$0x0], $0xffff;
	v19 =	vadd.f32 v17, v26  }
0x170: {  	v60 =	vadd.s32 v11, v61;
	v52 =	vld.idx.msk [tilespmem:v30+s18+$0x0], $0xffff;
	v54 =	vsub.f32 v29, v31;
	v26 =	vsub.f32 $1.500000000e+00, v59  }
0x171: {  	v61 =	vld.idx.msk [tilespmem:v23+s18+$0x0], $0xffff;
	v17 =	vadd.s32 v9, v39;
	[tilespmem:v10+s2+$0x16080 ss:$0x1] =	vst.idx.msk $0xffff, v41;
	v30 =	vadd.s32 $0x1, v49;
	v36 =	vsub.f32 $1.500000000e+00, v36  }
0x172: {  	s7 =	simm.s32 $0x70;
	v56 =	vld.idx.msk [tilespmem:v24+s18+$0x0], $0xffff;
	v29 =	vshra.s32 v19, $0x1;
	[tilespmem:v62+s26+$0x0] =	vst.idx.msk $0xffff, v54;
	v32 =	vmul.f32 $5.000000000e-01, v19;
	v35 =	vmul.f32 v35, v26  }
0x173: {  	s30 =	smin.u32 s7, $0x982;
	v31 =	vadd.s32 $0x1, v60;
	[tilespmem:v10+s2+$0x1AD80 ss:$0x1] =	vst.idx.msk $0xffff, v63;
	v57 =	vld.idx.msk [tilespmem:v37+s18+$0x0], $0xffff;
	v58 =	vsub.s32 $0x5F3759DF, v29;
	v36 =	vmul.f32 v36, v42  }
0x174: {  	s25 =	sadd.s32 s23, s30;
	v45 =	vld.idx.msk [tilespmem:v45+s18+$0x0], $0xffff;
	v29 =	vadd.s32 $0x2, v60;
	v62 =	vmul.f32 v58, v32;
	v63 =	vmul.f32 v35, v46  }
0x175: {  	s29 =	smul.u32 $0x3, s25;
	[tilespmem:v48+s26+$0x0] =	vst.idx.msk $0xffff, v28;
	v26 =	vadd.s32 $0x2, v49;
	v25 =	vsub.f32 v52, v25;
	v27 =	vmul.f32 v36, v27  }
0x176: {  	v38 =	vld.idx.msk [tilespmem:v49+s18+$0x0], $0xffff;
	v20 =	vadd.s32 v9, v20;
	v37 =	vmul.f32 v58, v62;
	v49 =	vmul.f32 v63, v35  }
0x177: {  	s6 =	simm.s32 $0x1D470;
	v41 =	vld.idx.msk [tilespmem:v60+s18+$0x0], $0xffff;
	v46 =	vadd.s32 s29, v2;
	v62 =	vmul.f32 v54, v54;
	v52 =	vmul.f32 v25, v25  }
0x178: {  	[tilespmem:v40+s26+$0x0] =	vst.idx.msk $0xffff, v25;
	v25 =	vld [tilespmem:s6+$0x0];
	v59 =	vsub.f32 $1.500000000e+00, v37;
	v37 =	vadd.s32 s4, v8;
	v60 =	vsub.f32 $1.500000000e+00, v49  }
0x179: {  	v44 =	vadd.s32 $0x1, v23;
	[tilespmem:s10+$0x0] =	vst v27;
	v27 =	vsub.f32 v56, v61;
	v39 =	vld.idx.msk [tilespmem:v47+s18+$0x0], $0xffff;
	v28 =	vsub.f32 v45, v57  }
0x17a: {  	s20 =	simm.s32 $0x1DE70;
	v61 =	vmul.f32 v53, v53;
	v42 =	vld.idx.msk [tilespmem:v50+s18+$0x0], $0xffff;
	[tilespmem:s11+$0x0] =	vst v22;
	v45 =	vadd.s32 $0x1, v24;
	v63 =	vmul.f32 v60, v35  }
0x17b: {  	s8 =	simm.s32 $0x1E890;
	s15 =	smov.u32 s10;
	s25 =	simm.s32 $0x6;
	v22 =	vld [tilespmem:s20+$0x0];
	v40 =	vadd.f32 v52, v55;
	[tilespmem:s31+$0x0] =	vst v33;
	v47 =	vmul.f32 v28, v28;
	v35 =	vmul.f32 v58, v59  }
0x17c: {  	v34 =	vadd.s32 s14, v8;
	s2 =	sadd.s32 $0x60, s14;
	s14 =	smov.u32 s11;
	s4 =	smov.u32 s31;
	v33 =	vld [tilespmem:s20+$0xFFFFFFF0];
	[tilespmem:v46+s26+$0x0] =	vst.idx.msk $0xffff, v27;
	v46 =	vadd.f32 v62, v61;
	v43 =	vmul.f32 v63, v43  }
.LBB2_13:
0x17d: {  	v48 =	vld [tilespmem:s8+$0x0];
	v38 =	vsub.f32 v41, v38;
	v49 =	vadd.s32 s2, v7;
	s1 =	sadd.s32 $0x20, s1;
	v32 =	vmul.f32 v35, v32;
	[tilespmem:v37+s26+$0x0] =	vst.idx.msk $0xffff, v21  }
0x17e: {  	v37 =	vadd.s32 s2, v2;
	v16 =	vadd.s32 v9, v16;
	v21 =	vld [tilespmem:s1+$0x0];
	v36 =	vadd.f32 v47, v46;
	[tilespmem:v10+s22+$0x11380 ss:$0x1] =	vst.idx.msk $0xffff, v43  }
0x17f: {  	v39 =	vsub.f32 v42, v39;
	v41 =	vld.idx.msk [tilespmem:v44+s18+$0x0], $0xffff;
	[tilespmem:v10+s22+$0x16080 ss:$0x1] =	vst.idx.msk $0xffff, v16;
	v16 =	vadd.s32 v9, v18  }
0x180: {  	v43 =	vmul.f32 v38, v38;
	v18 =	vld.idx.msk [tilespmem:v45+s18+$0x0], $0xffff;
	v42 =	vshra.s32 v36, $0x1;
	v44 =	vmul.f32 $5.000000000e-01, v36;
	[tilespmem:v10+s22+$0x1AD80 ss:$0x1] =	vst.idx.msk $0xffff, v16;
	s22 =	smov.u32 s24;
	s24 =	smov.u32 s30  }
0x181: {  	v32 =	vmul.f32 v32, v35;
	v16 =	vld [tilespmem:s8+$0xFFFFFFF0];
	[tilespmem:v34+s26+$0x0] =	vst.idx.msk $0xffff, v39;
	v34 =	vmul.f32 v39, v39;
	v39 =	vsub.s32 $0x5F3759DF, v42  }
0x182: {  	v42 =	vld [tilespmem:s1+$0xFFFFFFF0];
	v45 =	vadd.s32 v11, v48;
	v46 =	vmul.f32 v39, v44;
	v48 =	vmovc v17;
	v17 =	vadd.s32 v9, v33  }
0x183: {  	v33 =	vadd.s32 v11, v21;
	v47 =	vld [tilespmem:s6+$0xFFFFFFF0];
	[tilespmem:v37+s26+$0x0] =	vst.idx.msk $0xffff, v38;
	v37 =	vadd.s32 s29, v7;
	v34 =	vadd.f32 v34, v40  }
0x184: {  	v50 =	vmovc v29;
	v38 =	vadd.s32 $0x2, v23;
	v23 =	vmovc v45;
	v40 =	vld.idx.msk [tilespmem:v30+s18+$0x0], $0xffff;
	v57 =	vmul.f32 v39, v46;
	v46 =	vsub.f32 $1.500000000e+00, v32  }
0x185: {  	v52 =	vadd.s32 $0x2, v24;
	v54 =	vmovc v13;
	v24 =	vmovc v33;
	v51 =	vld.idx.msk [tilespmem:v31+s18+$0x0], $0xffff;
	v53 =	vshra.s32 v34, $0x1;
	v32 =	vmul.f32 $5.000000000e-01, v34  }
0x186: {  	s25 =	sadd.s32 $0x2, s25;
	v13 =	vmovc v20;
	v56 =	vsub.f32 v18, v41;
	v55 =	vadd.s32 v11, v16;
	v57 =	vsub.f32 $1.500000000e+00, v57;
	v16 =	vmovc v15  }
0x187: {  	s7 =	sadd.s32 $0x20, s7;
	p0 =	slt.u32 s25, $0x98;
	v21 =	vmovc v28;
	v15 =	vmovc v25;
	v41 =	vadd.s32 v11, v42;
	v30 =	vadd.s32 $0x1, v55;
	v42 =	vadd.s32 $0x2, v55;
	v45 =	vld.idx.msk [tilespmem:v45+s18+$0x0], $0xffff  }
0x188: {  	s30 =	smin.u32 s7, $0x982;
	v31 =	vadd.s32 $0x1, v41;
	v29 =	vadd.s32 $0x2, v41;
	v25 =	vld.idx.msk [tilespmem:v33+s18+$0x0], $0xffff;
	[tilespmem:v37+s26+$0x0] =	vst.idx.msk $0xffff, v56;
	v33 =	vmul.f32 v39, v57  }
0x189: {  	s9 =	sadd.s32 s23, s30;
	v18 =	vmovc v14;
	v35 =	vmul.f32 v46, v35;
	v20 =	vadd.s32 v9, v47;
	v47 =	vsub.s32 $0x5F3759DF, v53;
	v28 =	vld.idx.msk [tilespmem:v38+s18+$0x0], $0xffff  }
0x18a: {  	s9 =	smul.u32 $0x3, s9;
	v14 =	vmov v22;
	v37 =	vmul.f32 v47, v32;
	v46 =	vld.idx.msk [tilespmem:v52+s18+$0x0], $0xffff;
	v39 =	vmul.f32 v33, v44  }
0x18b: {  	v35 =	vmul.f32 v35, v19;
	v19 =	vmov v34;
	v22 =	vsub.f32 v51, v40;
	v38 =	vld.idx.msk [tilespmem:v55+s18+$0x0], $0xffff  }
0x18c: {  	v40 =	vadd.s32 s9, v2;
	v37 =	vmul.f32 v47, v37;
	v41 =	vld.idx.msk [tilespmem:v41+s18+$0x0], $0xffff;
	v44 =	vmul.f32 v39, v33  }
0x18d: {  	s15 =	sadd.s32 $0x20, s15;
	v34 =	vadd.s32 s2, v8;
	[tilespmem:v49+s26+$0x0] =	vst.idx.msk $0xffff, v22;
	v49 =	vmul.f32 v22, v22  }
.Ltmp9:
0x18e: {  	s14 =	sadd.s32 $0x20, s14;
	v51 =	vsub.f32 $1.500000000e+00, v37;
	v37 =	vadd.s32 s28, v8;
	s28 =	smov.u32 s29;
	v39 =	vld.idx.msk [tilespmem:v26+s18+$0x0], $0xffff;
	v22 =	vsub.f32 $1.500000000e+00, v44;
	[tilespmem:s15+$0x0] =	vst v35;
	v26 =	vmovc v42;
	(pc) =	sbr.rel @p0 .LBB2_13-.Ltmp9, $4  }
0x18f: {  	s4 =	sadd.s32 $0x20, s4;
	s6 =	sadd.s32 $0x20, s6;
	s29 =	smov.u32 s9;
	v44 =	vadd.s32 $0x1, v23;
	v42 =	vld.idx.msk [tilespmem:v50+s18+$0x0], $0xffff;
	v50 =	vmul.f32 v27, v27;
	v27 =	vsub.f32 v25, v45;
	[tilespmem:s14+$0x0] =	vst v54  }
0x190: {  	s20 =	sadd.s32 $0x20, s20;
	v52 =	vmul.f32 v56, v56;
	v28 =	vsub.f32 v46, v28;
	v25 =	vld [tilespmem:s6+$0x0];
	v53 =	vmul.f32 v22, v33;
	[tilespmem:s4+$0x0] =	vst v12  }
0x191: {  	v45 =	vadd.s32 $0x1, v24;
	v35 =	vmul.f32 v47, v51;
	v22 =	vld [tilespmem:s20+$0x0];
	[tilespmem:v40+s26+$0x0] =	vst.idx.msk $0xffff, v27;
	v40 =	vadd.f32 v49, v43  }
0x192: {  	s8 =	sadd.s32 $0x20, s8;
	s2 =	sadd.s32 $0x60, s2;
	v12 =	vmovc v48;
	v46 =	vadd.f32 v52, v50;
	v47 =	vmul.f32 v28, v28;
	v33 =	vld [tilespmem:s20+$0xFFFFFFF0];
	v43 =	vmul.f32 v53, v36  }
0x193: {  	_ = 	snop  }
0x194: {  	v11 =	vadd.s32 s2, v2;
	_ =	sdelay $0x2  }
0x195: {  	v36 =	vld.idx.msk [tilespmem:v44+s18+$0x0], $0xffff;
	v38 =	vsub.f32 v41, v38  }
0x196: {  	v59 =	vld.idx.msk [tilespmem:v45+s18+$0x0], $0xffff  }
0x197: {  	v44 =	vld [tilespmem:s6+$0xFFFFFFF0];
	[tilespmem:v11+s26+$0x0] =	vst.idx.msk $0xffff, v38  }
0x198: {  	v11 =	vadd.s32 s29, v7;
	v30 =	vld.idx.msk [tilespmem:v30+s18+$0x0], $0xffff  }
0x199: {  	v23 =	vadd.s32 $0x2, v23;
	v31 =	vld.idx.msk [tilespmem:v31+s18+$0x0], $0xffff  }
0x19a: {  	v24 =	vadd.s32 $0x2, v24  }
0x19b: {  	v60 =	vadd.s32 s2, v7;
	v36 =	vsub.f32 v59, v36;
	_ =	sdelay $0x1  }
0x19c: {  	[tilespmem:v11+s26+$0x0] =	vst.idx.msk $0xffff, v36  }
0x19d: {  	v45 =	vadd.f32 v47, v46;
	v11 =	vld.idx.msk [tilespmem:v23+s18+$0x0], $0xffff;
	v61 =	vsub.f32 v31, v30  }
0x19e: {  	v24 =	vld.idx.msk [tilespmem:v24+s18+$0x0], $0xffff  }
0x19f: {  	v32 =	vmul.f32 v35, v32;
	v62 =	vshra.s32 v45, $0x1;
	v63 =	vmul.f32 $5.000000000e-01, v45;
	[tilespmem:v60+s26+$0x0] =	vst.idx.msk $0xffff, v61  }
0x1a0: {  	v27 =	vmul.f32 v27, v27;
	v30 =	vsub.f32 v42, v39;
	v31 =	vsub.s32 $0x5F3759DF, v62;
	v26 =	vld.idx.msk [tilespmem:v26+s18+$0x0], $0xffff  }
0x1a1: {  	v16 =	vadd.s32 v9, v16;
	v49 =	vmul.f32 v32, v35;
	v47 =	vmul.f32 v31, v63;
	v29 =	vld.idx.msk [tilespmem:v29+s18+$0x0], $0xffff  }
0x1a2: {  	v18 =	vadd.s32 v9, v18;
	v36 =	vmul.f32 v36, v36;
	v46 =	vmul.f32 v30, v30  }
0x1a3: {  	v38 =	vmul.f32 v38, v38;
	v48 =	vmul.f32 v31, v47;
	v11 =	vsub.f32 v24, v11  }
0x1a4: {  	v27 =	vadd.f32 v36, v27;
	v23 =	vmul.f32 v61, v61;
	v40 =	vadd.f32 v46, v40  }
0x1a5: {  	v41 =	vsub.f32 $1.500000000e+00, v48;
	v24 =	vsub.f32 $1.500000000e+00, v49;
	v52 =	vmul.f32 v11, v11  }
0x1a6: {  	v50 =	vshra.s32 v40, $0x1;
	v51 =	vmul.f32 $5.000000000e-01, v40;
	v26 =	vsub.f32 v29, v26  }
0x1a7: {  	v32 =	vsub.s32 $0x5F3759DF, v50;
	v31 =	vmul.f32 v31, v41;
	v27 =	vadd.f32 v52, v27  }
0x1a8: {  	v23 =	vadd.f32 v23, v38;
	v53 =	vmul.f32 v32, v51;
	v54 =	vmul.f32 v26, v26  }
0x1a9: {  	v24 =	vmul.f32 v24, v35;
	v55 =	vshra.s32 v27, $0x1;
	v56 =	vmul.f32 $5.000000000e-01, v27  }
0x1aa: {  	v29 =	vmul.f32 v32, v53;
	v38 =	vsub.s32 $0x5F3759DF, v55;
	v23 =	vadd.f32 v54, v23  }
0x1ab: {  	v62 =	vadd.s32 s28, v8;
	v39 =	vmul.f32 v31, v63;
	v57 =	vmul.f32 v38, v56  }
0x1ac: {  	[tilespmem:v37+s26+$0x0] =	vst.idx.msk $0xffff, v21;
	v29 =	vsub.f32 $1.500000000e+00, v29;
	v36 =	vshra.s32 v23, $0x1;
	v59 =	vmul.f32 $5.000000000e-01, v23  }
0x1ad: {  	[tilespmem:v10+s22+$0x11380 ss:$0x1] =	vst.idx.msk $0xffff, v43;
	v58 =	vmul.f32 v39, v31;
	v60 =	vmul.f32 v38, v57;
	v61 =	vsub.s32 $0x5F3759DF, v36  }
0x1ae: {  	[tilespmem:v10+s22+$0x16080 ss:$0x1] =	vst.idx.msk $0xffff, v16;
	v50 =	vadd.s32 s2, v8;
	v29 =	vmul.f32 v32, v29;
	v36 =	vmul.f32 v61, v59  }
0x1af: {  	[tilespmem:v10+s22+$0x1AD80 ss:$0x1] =	vst.idx.msk $0xffff, v18;
	v63 =	vmul.f32 v24, v19;
	v21 =	vsub.f32 $1.500000000e+00, v58;
	v42 =	vsub.f32 $1.500000000e+00, v60  }
0x1b0: {  	[tilespmem:v34+s26+$0x0] =	vst.idx.msk $0xffff, v30;
	v39 =	vmul.f32 v29, v51;
	v43 =	vmul.f32 v61, v36  }
0x1b1: {  	s1 =	sadd.s32 $0x20, s15;
	[tilespmem:v62+s26+$0x0] =	vst.idx.msk $0xffff, v28;
	v21 =	vmul.f32 v21, v31;
	v47 =	vmul.f32 v38, v42  }
0x1b2: {  	s23 =	sadd.s32 $0x20, s14;
	[tilespmem:s1+$0x0] =	vst v63;
	v46 =	vmul.f32 v39, v29;
	v49 =	vsub.f32 $1.500000000e+00, v43  }
0x1b3: {  	[tilespmem:s23+$0x0] =	vst v13;
	v48 =	vmul.f32 v21, v45;
	v52 =	vmul.f32 v47, v56  }
0x1b4: {  	s25 =	sadd.s32 $0x20, s4;
	[tilespmem:v50+s26+$0x0] =	vst.idx.msk $0xffff, v26;
	v60 =	vadd.s32 s29, v8;
	v51 =	vsub.f32 $1.500000000e+00, v46;
	v53 =	vmul.f32 v61, v49  }
0x1b5: {  	v54 =	vadd.s32 v9, v15;
	[tilespmem:s25+$0x0] =	vst v12;
	v56 =	vmul.f32 v52, v47  }
0x1b6: {  	[tilespmem:v10+s24+$0x11380 ss:$0x1] =	vst.idx.msk $0xffff, v48;
	v55 =	vmul.f32 v51, v29;
	v58 =	vmul.f32 v53, v59  }
0x1b7: {  	v57 =	vadd.s32 v9, v14;
	[tilespmem:v10+s24+$0x16080 ss:$0x1] =	vst.idx.msk $0xffff, v54;
	v16 =	vsub.f32 $1.500000000e+00, v56  }
0x1b8: {  	[tilespmem:v10+s24+$0x1AD80 ss:$0x1] =	vst.idx.msk $0xffff, v57;
	v59 =	vmul.f32 v55, v40;
	v14 =	vmul.f32 v58, v53  }
0x1b9: {  	s1 =	sadd.s32 $0x20, s1;
	[tilespmem:v60+s26+$0x0] =	vst.idx.msk $0xffff, v11;
	v61 =	vmul.f32 v16, v47  }
0x1ba: {  	s28 =	sadd.s32 $0x20, s23;
	[tilespmem:s1+$0x0] =	vst v59;
	v14 =	vsub.f32 $1.500000000e+00, v14  }
0x1bb: {  	s2 =	sadd.s32 $0x20, s25;
	[tilespmem:s28+$0x0] =	vst v20;
	v12 =	vmul.f32 v61, v27  }
0x1bc: {  	s0 =	sadd.s32 $0x1, s0;
	[tilespmem:s2+$0x0] =	vst v17;
	v11 =	vmul.f32 v14, v53  }
0x1bd: {  	p0 =	sne.s32 s0, $0x4;
	v62 =	vadd.s32 v9, v25;
	[tilespmem:v10+s30+$0x11380 ss:$0x1] =	vst.idx.msk $0xffff, v12  }
.Ltmp10:
0x1be: {  	v63 =	vadd.s32 v9, v22;
	[tilespmem:v10+s30+$0x16080 ss:$0x1] =	vst.idx.msk $0xffff, v62;
	v11 =	vmul.f32 v11, v23;
	(pc) =	sbr.rel @p0 .LBB2_12-.Ltmp10, $4  }
0x1bf: {  	s1 =	sadd.s32 $0x20, s1;
	[tilespmem:v10+s30+$0x1AD80 ss:$0x1] =	vst.idx.msk $0xffff, v63  }
0x1c0: {  	s29 =	sadd.s32 $0x20, s28;
	v10 =	vadd.s32 v9, v44;
	[tilespmem:s1+$0x0] =	vst v11  }
0x1c1: {  	s10 =	sadd.s32 $0x992, s10;
	v9 =	vadd.s32 v9, v33;
	s30 =	sadd.s32 $0x20, s2;
	[tilespmem:s29+$0x0] =	vst v10  }
0x1c2: {  	s11 =	sadd.s32 $0x992, s11;
	s31 =	sadd.s32 $0x992, s31;
	s3 =	sadd.s32 $0x1CB6, s3;
	[tilespmem:s30+$0x0] =	vst v9  }
0x1c3: {  	s0 =	rddreg [dreg:$0xe]  }
0x1c4: {  	p0 =	sge.u32 s13, s0  }
0x1c5: {  	s0 =	sadd.s32 @!p0 $0x2, s16  }
0x1c6: {  	s1 =	smul.u32 @!p0 $0x4B, s0  }
0x1c7: {  	s2 =	rddreg [dreg:$0x0];
	s3 =	simm.s32 @!p0 $0x280  }
0x1c8: {  	s0 =	smul.u32 @!p0 $0x19, s0;
	s1 =	sadd.s32 @!p0 s2, s1;
	s2 =	simm.s32 @!p0 $0x0  }
0x1c9: {  	[tilespmem:s3], [sflag:$0x2] =	stream.linear.gather @!p0 [hbm4b:s1+s2], $0x258, $0x38;
	[tilespmem:$0x1FC00] =	vst v63  }
0x1ca: {  	s14 =	smul.u32 $0xE5B, s16;
	s1 =	rddreg [dreg:$0x1]  }
0x1cb: {  	s15 =	rddreg [dreg:$0x2];
	s0 =	sadd.s32 @!p0 s1, s0;
	s1 =	simm.s32 @!p0 $0x600  }
0x1cc: {  	[tilespmem:s1], [sflag:$0x2] =	stream.linear.gather @!p0 [hbm4b:s0+s2], $0xC8, $0x38;
	[tilespmem:$0x1FC00] =	vst v63  }
0x1cd: {  	s20 =	smul.u32 $0x4C9, s16;
	s22 =	rddreg [dreg:$0x6];
	s0 =	sadd.s32 s15, s14  }
0x1ce: {  	[hbm4b:s0+s5] =	stream.linear.scatter [tilespmem:s26], [sflag:$0x4], $0x72D8, $0x38;
	[tilespmem:$0x1FC00] =	vst v63  }
0x1cf: {  	s23 =	simm.s32 $0x11380;
	s28 =	smul.u32 $0x2648, s16;
	s0 =	sadd.s32 s22, s20  }
0x1d0: {  	[hbm4b:s0+s5] =	stream.linear.scatter [tilespmem:s23], [sflag:$0x4], $0x2648, $0x38;
	[tilespmem:$0x1FC00] =	vst v63  }
.Ltmp11:
0x1d1: {  	s24 =	rddreg [dreg:$0x7];
	s30 =	sshrl.u32 s28, $0x3;
	(pc) =	sbr.rel .LBB2_16-.Ltmp11, $4  }
0x1d2: {  	s29 =	simm.s32 $0x16080;
	s25 =	sadd.s32 s24, s20;
	s0 =	sadd.s32 s24, s30  }
0x1d3: {  	[hbm4b:s25+s5] =	stream.linear.scatter [tilespmem:s29], [sflag:$0x4], $0x2648, $0x38;
	[tilespmem:$0x1FC00] =	vst v63  }
0x1d4: {  	s31 =	simm.s32 $0x1AD80;
	s8 =	rddreg [dreg:$0x8];
	s0 =	sadd.s32 $0x4AC4A, s0  }
0x1d5: {  	[hbm4b:s0+s5] =	stream.linear.scatter [tilespmem:s31], [sflag:$0x4], $0x2648, $0x38;
	[tilespmem:$0x1FC00] =	vst v63  }
.LBB2_18:
0x1d6: {  	_ =	sfence.sel $0x180000  }
0x1d7: {  	[bflag:$0x0] =	sbarrier.arrive $0xFFFF  }
0x1d8: {  	_ =	strace $0x90000047  }
0x1d9: {  	s0 =	stileid.u32;
	[bflag:$0x2] =	sbarrier.arrive $0xFFFF  }
0x1da: {  	p0 =	sne.s32 s0, $0x0;
	s0 =	rddreg [dreg:$0x4]  }
0x1db: {  	s0 =	sadd.s32 @!p0 $0x100000, s0  }
0x1dc: {  	[sflag:s0] =	ssyncadd.tile.s32 @!p0 $0x1;
	_ =	shalt  }
.Lfunc_end2:
_tile_overlayer_lowered:
.L_overlay_start_2:
0x1dd: {  	(tag) =	ssettag $0x2  }
0x1de: {  	s0 =	rddreg [dreg:$0x0];
	s2 =	stileid.u32  }
0x1df: {  	s1 =	rddreg [dreg:$0x1];
	p0 =	sne.s32 s2, $0x0  }
0x1e0: {  	s3 =	rddreg [dreg:$0x2];
	[bflag:$0x3] =	sbarrier.arrive $0xFFFF;
	s2 =	simm.s32 @!p0 $0x1C05  }
0x1e1: {  	[timem:s3], [sflag:s2] =	dma.local @!p0 [hbm:s0], s1  }
0x1e2: {  	s0 =	simm.s32 @!p0 $0x5  }
0x1e3: {  	_ =	swait.ge @!p0 [sflag:s0], s1  }
0x1e4: {  	s1 =	ssub.s32 @!p0 $0x0, s1;
	[sflag:s0] =	ssyncset.done @!p0 $0x0  }
0x1e5: {  	[sflag:s0] =	ssyncadd.s32 @!p0 s1  }
0x1e6: {  	[bflag:$0x3] =	sbarrier.arrive $0xFFFF  }
0x1e7: {  	_ =	shalt  }

</sc_bundles>
